<compile_context>
chip_gen: v7x
topology: tpu7x:2x2x1
jax: 0.10.2.dev20260603
libtpu: 0.0.44.dev20260713+nightly
codegen_flags: <defaults>
</compile_context>

<pallas_src>
import jax
import jax.numpy as jnp
from jax import lax
from jax.experimental import pallas as pl
from jax.experimental.pallas import tpu as pltpu
from jax.experimental.pallas import tpu_sc as plsc

T = 2048
D = 768
F = 2048
E = 8
K = 2
CAP = 256
A = T * K

_NEG_INF = float("-inf")


def _routing_kernel(logits_ref, e0_ref, e1_ref, d_ref, p0_ref, p1_ref,
                    colsum_ref, z_ref):
    logits = logits_ref[...]
    ex_iota = jax.lax.broadcasted_iota(jnp.int32, (T, E), 1)

    l0 = jnp.max(logits, axis=1, keepdims=True)
    is0 = logits == l0
    e0 = jnp.min(jnp.where(is0, ex_iota, E), axis=1, keepdims=True)
    masked = jnp.where(ex_iota == e0, _NEG_INF, logits)
    l1 = jnp.max(masked, axis=1, keepdims=True)
    is1 = masked == l1
    e1 = jnp.min(jnp.where(is1, ex_iota, E), axis=1, keepdims=True)

    u1 = jnp.exp(l1 - l0)
    den = 1.0 + u1
    p0u = 1.0 / den
    p1u = u1 / den
    s = jnp.maximum(p0u + p1u, 1e-8)
    p0_ref[...] = p0u / s
    p1_ref[...] = p1u / s

    e0_ref[...] = e0
    e1_ref[...] = e1
    d_ref[...] = l0 - l1

    exps = jnp.exp(logits - l0)
    den8 = jnp.sum(exps, axis=1, keepdims=True)
    colsum_ref[...] = jnp.sum(exps / den8, axis=0, keepdims=True)

    lse = l0 + jnp.log(den8)
    z_ref[...] = jnp.sum(lse * lse, axis=0, keepdims=True) * (0.001 / T)


_BI = 128


def _rank_kernel(scol_ref, ecol_ref, srow_ref, erow_ref,
                 rank_ref, keep_ref, dst_ref):
    i = pl.program_id(0)
    scol = scol_ref[...]
    ecol = ecol_ref[...]
    srow = srow_ref[...]
    erow = erow_ref[...]
    icol = i * _BI + jax.lax.broadcasted_iota(jnp.int32, (_BI, 1), 0)
    irow = jax.lax.broadcasted_iota(jnp.int32, (1, A), 1)

    same_e = erow == ecol
    beats = (srow > scol) | ((srow == scol) & (irow < icol))
    cnt = jnp.sum(jnp.where(same_e & beats, 1.0, 0.0), axis=1, keepdims=True)
    rank = cnt.astype(jnp.int32)
    keep = rank < CAP
    rank_ref[...] = rank
    keep_ref[...] = keep.astype(jnp.int32)
    row = ecol * CAP + rank
    dst_ref[...] = jnp.where(keep, row, E * CAP + (icol & (CAP - 1)))


_FB = 2
_FBLK = F // _FB
_NW = 32
_TPW = T // _NW


def _expert_kernel(buf_ref, w1_ref, w3_ref, w2_ref,
                   e0c_ref, e1c_ref, r0c_ref, r1c_ref, k0c_ref, k1c_ref,
                   p0c_ref, p1c_ref, colsum_ref,
                   out_ref, lb_ref, y_ref):
    e = pl.program_id(0)
    fb = pl.program_id(1)

    @pl.when((e == 0) & (fb == 0))
    def _init():
        out_ref[...] = jnp.zeros((T, D), jnp.float32)
        lb_ref[...] = jnp.zeros((1, 1), jnp.float32)

    buf = buf_ref[...].astype(jnp.bfloat16)
    w1 = w1_ref[0].astype(jnp.bfloat16)
    w3 = w3_ref[0].astype(jnp.bfloat16)
    w2 = w2_ref[0].astype(jnp.bfloat16)
    h1 = jax.lax.dot_general(buf, w1, (((1,), (1,)), ((), ())),
                             preferred_element_type=jnp.float32)
    h3 = jax.lax.dot_general(buf, w3, (((1,), (1,)), ((), ())),
                             preferred_element_type=jnp.float32)
    h = h1 * jax.lax.logistic(h1) * h3
    y_part = jax.lax.dot_general(h.astype(jnp.bfloat16), w2,
                                 (((1,), (1,)), ((), ())),
                                 preferred_element_type=jnp.float32)

    @pl.when(fb == 0)
    def _y_init():
        y_ref[...] = y_part

    @pl.when(fb != 0)
    def _y_acc():
        y_ref[...] += y_part

    @pl.when(fb == _FB - 1)
    def _combine():
        q_col = jnp.where(
            (e0c_ref[...] == e) & (k0c_ref[...] == 1), r0c_ref[...],
            jnp.where((e1c_ref[...] == e) & (k1c_ref[...] == 1),
                      r1c_ref[...], -1))
        w_col = jnp.where(
            (e0c_ref[...] == e) & (k0c_ref[...] == 1), p0c_ref[...],
            jnp.where((e1c_ref[...] == e) & (k1c_ref[...] == 1),
                      p1c_ref[...], 0.0))
        tok_iota = jax.lax.broadcasted_iota(jnp.int32, (T, CAP), 1)
        comb = (tok_iota == q_col).astype(jnp.bfloat16)
        contrib = jax.lax.dot_general(
            comb, y_ref[...].astype(jnp.bfloat16), (((1,), (0,)), ((), ())),
            preferred_element_type=jnp.float32)
        out_ref[...] += w_col * contrib

        cnt = jnp.sum(jnp.where((e0c_ref[...] == e) & (k0c_ref[...] == 1),
                                1.0, 0.0), axis=0, keepdims=True)
        lane_iota = jax.lax.broadcasted_iota(jnp.int32, (1, E), 1)
        cs_e = jnp.sum(jnp.where(lane_iota == e, colsum_ref[...], 0.0),
                       axis=1, keepdims=True)
        lb_ref[...] += cs_e * cnt * (0.01 / (T * E))


_SC_MESH = plsc.VectorSubcoreMesh(core_axis_name="c", subcore_axis_name="s")


def _sc_dispatch_body(x_hbm, d0_hbm, d1_hbm, buf_hbm, xv, i0, i1, sem):
    wid = lax.axis_index("s") * 2 + lax.axis_index("c")
    base = wid * _TPW
    pltpu.sync_copy(x_hbm.at[pl.ds(base, _TPW)], xv)
    pltpu.sync_copy(d0_hbm.at[pl.ds(base, _TPW)], i0)
    pltpu.sync_copy(d1_hbm.at[pl.ds(base, _TPW)], i1)
    pltpu.async_copy(xv, buf_hbm.at[i0], sem).wait()
    pltpu.async_copy(xv, buf_hbm.at[i1], sem).wait()


_sc_dispatch = pl.kernel(
    _sc_dispatch_body,
    out_type=jax.ShapeDtypeStruct(((E + 1) * CAP, D), jnp.float32),
    mesh=_SC_MESH,
    scratch_types=[
        pltpu.VMEM((_TPW, D), jnp.float32),
        pltpu.VMEM((_TPW,), jnp.int32),
        pltpu.VMEM((_TPW,), jnp.int32),
        pltpu.SemaphoreType.DMA,
    ],
)



@jax.jit
def kernel(x, Wg, W1, W3, W2):
    logits = x @ Wg.T

    e0, e1, d, p0, p1, colsum, z = pl.pallas_call(
        _routing_kernel,
        out_shape=(
            jax.ShapeDtypeStruct((T, 1), jnp.int32),
            jax.ShapeDtypeStruct((T, 1), jnp.int32),
            jax.ShapeDtypeStruct((T, 1), jnp.float32),
            jax.ShapeDtypeStruct((T, 1), jnp.float32),
            jax.ShapeDtypeStruct((T, 1), jnp.float32),
            jax.ShapeDtypeStruct((1, E), jnp.float32),
            jax.ShapeDtypeStruct((1, 1), jnp.float32),
        ),
    )(logits)

    s_flat = jnp.concatenate([d, -d], axis=1).reshape(A, 1)
    e_flat = jnp.concatenate([e0, e1], axis=1).reshape(A, 1)

    rank, keep, dst = pl.pallas_call(
        _rank_kernel,
        grid=(A // _BI,),
        in_specs=[
            pl.BlockSpec((_BI, 1), lambda i: (i, 0)),
            pl.BlockSpec((_BI, 1), lambda i: (i, 0)),
            pl.BlockSpec((1, A), lambda i: (0, 0)),
            pl.BlockSpec((1, A), lambda i: (0, 0)),
        ],
        out_shape=(
            jax.ShapeDtypeStruct((A, 1), jnp.int32),
            jax.ShapeDtypeStruct((A, 1), jnp.int32),
            jax.ShapeDtypeStruct((A, 1), jnp.int32),
        ),
        out_specs=tuple(
            pl.BlockSpec((_BI, 1), lambda i: (i, 0)) for _ in range(3)),
    )(s_flat, e_flat, s_flat.reshape(1, A), e_flat.reshape(1, A))

    rank2 = rank.reshape(T, K)
    keep2 = keep.reshape(T, K)
    r0c, r1c = rank2[:, 0:1], rank2[:, 1:2]
    k0c, k1c = keep2[:, 0:1], keep2[:, 1:2]
    dst2 = dst.reshape(T, K)

    buf = _sc_dispatch(x, dst2[:, 0], dst2[:, 1])

    out, lb = pl.pallas_call(
        _expert_kernel,
        grid=(E, _FB),
        in_specs=[
            pl.BlockSpec((CAP, D), lambda e, fb: (e, 0)),
            pl.BlockSpec((1, _FBLK, D), lambda e, fb: (e, fb, 0)),
            pl.BlockSpec((1, _FBLK, D), lambda e, fb: (e, fb, 0)),
            pl.BlockSpec((1, D, _FBLK), lambda e, fb: (e, 0, fb)),
        ] + [pl.BlockSpec((T, 1), lambda e, fb: (0, 0))] * 8
          + [pl.BlockSpec((1, E), lambda e, fb: (0, 0))],
        out_shape=(
            jax.ShapeDtypeStruct((T, D), jnp.float32),
            jax.ShapeDtypeStruct((1, 1), jnp.float32),
        ),
        out_specs=(
            pl.BlockSpec((T, D), lambda e, fb: (0, 0)),
            pl.BlockSpec((1, 1), lambda e, fb: (0, 0)),
        ),
        scratch_shapes=[
            pltpu.VMEM((CAP, D), jnp.float32),
        ],
    )(buf, W1, W3, W2,
      e0, e1, r0c, r1c, k0c, k1c, p0, p1, colsum)

    return out, lb.reshape(()), z.reshape(())

# --- scband reference (transcript-rebuilt; emitter-appended) ---
"""Pipeline reference for scband-optimized-mo-elayer-24257975287910 (READ-ONLY COPY).

The authoritative reference and input builder live on the scoring server;
editing this copy changes nothing except your own understanding.
"""

import jax, jax.numpy as jnp
import numpy as np

T = 2048
D_MODEL = 768
D_FF = 2048
E = 8
TOP_K = 2
CAPACITY_FACTOR = 1.0


def setup_inputs(seed: int = 0) -> dict:
    key = jax.random.key(seed)
    k_x, k_g, k_w1, k_w3, k_w2 = jax.random.split(key, 5)
    x = jax.random.normal(k_x, (T, D_MODEL), dtype=jnp.float32)
    # router gate: nn.Linear(d_model, num_experts, bias=False), init std=0.1
    Wg = 0.1 * jax.random.normal(k_g, (E, D_MODEL), dtype=jnp.float32)
    # per-expert SwiGLU FFN weights
    std13 = np.sqrt(2.0 / D_MODEL)
    std2 = np.sqrt(2.0 / D_FF)
    W1 = std13 * jax.random.normal(k_w1, (E, D_FF, D_MODEL), dtype=jnp.float32)
    W3 = std13 * jax.random.normal(k_w3, (E, D_FF, D_MODEL), dtype=jnp.float32)
    W2 = std2 * jax.random.normal(k_w2, (E, D_MODEL, D_FF), dtype=jnp.float32)
    return {"x": x, "Wg": Wg, "W1": W1, "W3": W3, "W2": W2}


def _moe_forward(x, Wg, W1, W3, W2):
    Ttok, D = x.shape
    cap = int((Ttok / E) * CAPACITY_FACTOR)
    # ---- CapacityBasedRouter ----
    logits = x @ Wg.T                       # [T, E]
    probs = jax.nn.softmax(logits, axis=-1)
    topk_logits, topk_idx = jax.lax.top_k(logits, TOP_K)   # [T, K]
    topk_probs = jax.nn.softmax(topk_logits, axis=-1)
    topk_probs = topk_probs / jnp.clip(topk_probs.sum(-1, keepdims=True), 1e-8)
    idx_flat = topk_idx.reshape(-1)          # [T*K]
    p_flat = topk_probs.reshape(-1)          # [T*K]
    # capacity constraint: per expert keep top-`cap` assignments by prob
    keep = jnp.zeros_like(p_flat, dtype=bool)
    for e in range(E):
        mask_e = idx_flat == e
        scores = jnp.where(mask_e, p_flat, -jnp.inf)
        _, sel = jax.lax.top_k(scores, cap)
        ke = jnp.zeros_like(mask_e).at[sel].set(True) & mask_e
        keep = keep | ke
    p_flat = jnp.where(keep, p_flat, 0.0)
    idx_kept = jnp.where(keep, idx_flat, -1)
    # ---- aux losses ----
    top1 = idx_kept.reshape(Ttok, TOP_K)[:, 0]
    valid = top1 != -1
    oh_top1 = jnp.where(valid[:, None], jax.nn.one_hot(jnp.clip(top1, 0, E - 1), E), 0.0)
    tokens_per_expert = oh_top1.sum(axis=0)
    lb_loss = (probs.sum(axis=0) * tokens_per_expert).sum() * 0.01 / (Ttok * E)
    z_loss = (jax.nn.logsumexp(logits, axis=-1) ** 2).mean() * 0.001
    # ---- dispatch to per-expert capacity buffers ----
    oh = jnp.where(keep[:, None], jax.nn.one_hot(idx_flat, E, dtype=jnp.int32), 0)  # [T*K, E]
    pos_all = jnp.cumsum(oh, axis=0) - 1
    pos = jnp.sum(pos_all * oh, axis=1)             # position within expert for each kept assignment
    tok = jnp.repeat(jnp.arange(Ttok), TOP_K)       # token id per assignment
    e_asn = jnp.where(keep, idx_flat, 0)
    pos = jnp.where(keep, pos, cap)                 # dropped assignments go to overflow slot
    buf = jnp.zeros((E, cap + 1, D), dtype=x.dtype).at[e_asn, pos].set(x[tok] * keep[:, None])
    # ---- per-expert SwiGLU FFN (grouped gemm) ----
    h1 = jnp.einsum('ecd,efd->ecf', buf, W1)
    h3 = jnp.einsum('ecd,efd->ecf', buf, W3)
    h = jax.nn.silu(h1) * h3
    y = jnp.einsum('ecf,edf->ecd', h, W2)           # [E, cap+1, D]
    # ---- combine ----
    out_asn = y[e_asn, pos]                          # [T*K, D]
    out = jnp.zeros((Ttok, D), dtype=x.dtype).at[tok].add(p_flat[:, None] * out_asn)
    return out, lb_loss, z_loss


def reference(x, Wg, W1, W3, W2):
    return _moe_forward(x, Wg, W1, W3, W2)

if __name__ == "__main__":
    import jax
    _d = setup_inputs()
    print(jax.jit(kernel)(*tuple(_d.values())))

</pallas_src>

<mosaic_0001>
#map = affine_map<(d0, d1) -> (0, 0)>
#map1 = affine_map<(d0, d1) -> (0)>
module attributes {stable_mosaic.version = 14 : i64} {
  func.func @_sc_dispatch_body(%arg0: i32, %arg1: i32, %arg2: memref<2048x768xf32, #tpu.memory_space<hbm>>, %arg3: memref<2048xi32, #tpu.memory_space<hbm>>, %arg4: memref<2048xi32, #tpu.memory_space<hbm>>, %arg5: memref<2304x768xf32, #tpu.memory_space<hbm>>, %arg6: memref<64x768xf32, #tpu.memory_space<vmem>>, %arg7: memref<64xi32, #tpu.memory_space<vmem>>, %arg8: memref<64xi32, #tpu.memory_space<vmem>>, %arg9: memref<!tpu.dma_semaphore, #tpu.memory_space<semaphore_mem>>) attributes {dimension_semantics = [#tpu.dimension_semantics<core_parallel>, #tpu.dimension_semantics<subcore_parallel>], iteration_bounds = array<i64: 2, 16>, scalar_prefetch = 0 : i64, scratch_operands = 4 : i64, tpu.core_type = #tpu.core_type<sc_vector_subcore>, window_params = [{transform_indices = #map}, {transform_indices = #map1}, {transform_indices = #map1}, {transform_indices = #map}]} {
    %mul3A = arith.constant 2 : i32
    %mul3A_0 = arith.muli %arg1, %mul3A : i32
    %add3A = arith.addi %mul3A_0, %arg0 : i32
    %mul3A_1 = arith.constant 64 : i32
    %mul3A_2 = arith.muli %add3A, %mul3A_1 : i32
    "tpu.region"() ({
      %run_scoped3A = tpu.sem_alloc : memref<!tpu.dma_semaphore, #tpu.memory_space<semaphore_mem>>
      %dma_start3A_13 = arith.constant 0 : i32
      %dma_start3A_14 = tpu.memref_slice %arg2[%mul3A_2, %dma_start3A_13] : memref<2048x768xf32, #tpu.memory_space<hbm>> -> memref<64x768xf32, #tpu.memory_space<hbm>>
      %dma_start3A_15 = arith.constant 0 : i32
      %dma_start3A_16 = tpu.memref_slice %arg2[%mul3A_2, %dma_start3A_15] : memref<2048x768xf32, #tpu.memory_space<hbm>> -> memref<64x768xf32, #tpu.memory_space<hbm>>
      tpu.enqueue_dma source(%dma_start3A_16 : memref<64x768xf32, #tpu.memory_space<hbm>>) target(%arg6 : memref<64x768xf32, #tpu.memory_space<vmem>>) target_semaphore(%run_scoped3A : memref<!tpu.dma_semaphore, #tpu.memory_space<semaphore_mem>>)
      %dma_wait3A_17 = arith.constant 0 : i32
      %dma_wait3A_18 = tpu.memref_slice %arg2[%mul3A_2, %dma_wait3A_17] : memref<2048x768xf32, #tpu.memory_space<hbm>> -> memref<64x768xf32, #tpu.memory_space<hbm>>
      %dma_wait3A_19 = arith.constant 0 : i32
      %dma_wait3A_20 = tpu.memref_slice %arg2[%mul3A_2, %dma_wait3A_19] : memref<2048x768xf32, #tpu.memory_space<hbm>> -> memref<64x768xf32, #tpu.memory_space<hbm>>
      tpu.wait_dma2 semaphore(%run_scoped3A : memref<!tpu.dma_semaphore, #tpu.memory_space<semaphore_mem>>) src(%dma_wait3A_20 : memref<64x768xf32, #tpu.memory_space<hbm>>) dst(%arg6 : memref<64x768xf32, #tpu.memory_space<vmem>>)
      tpu.yield
    }) : () -> ()
    "tpu.region"() ({
      %run_scoped3A = tpu.sem_alloc : memref<!tpu.dma_semaphore, #tpu.memory_space<semaphore_mem>>
      %dma_start3A_13 = tpu.memref_slice %arg3[%mul3A_2] : memref<2048xi32, #tpu.memory_space<hbm>> -> memref<64xi32, #tpu.memory_space<hbm>>
      %dma_start3A_14 = tpu.memref_slice %arg3[%mul3A_2] : memref<2048xi32, #tpu.memory_space<hbm>> -> memref<64xi32, #tpu.memory_space<hbm>>
      tpu.enqueue_dma source(%dma_start3A_14 : memref<64xi32, #tpu.memory_space<hbm>>) target(%arg7 : memref<64xi32, #tpu.memory_space<vmem>>) target_semaphore(%run_scoped3A : memref<!tpu.dma_semaphore, #tpu.memory_space<semaphore_mem>>)
      %dma_wait3A_15 = tpu.memref_slice %arg3[%mul3A_2] : memref<2048xi32, #tpu.memory_space<hbm>> -> memref<64xi32, #tpu.memory_space<hbm>>
      %dma_wait3A_16 = tpu.memref_slice %arg3[%mul3A_2] : memref<2048xi32, #tpu.memory_space<hbm>> -> memref<64xi32, #tpu.memory_space<hbm>>
      tpu.wait_dma2 semaphore(%run_scoped3A : memref<!tpu.dma_semaphore, #tpu.memory_space<semaphore_mem>>) src(%dma_wait3A_16 : memref<64xi32, #tpu.memory_space<hbm>>) dst(%arg7 : memref<64xi32, #tpu.memory_space<vmem>>)
      tpu.yield
    }) : () -> ()
    "tpu.region"() ({
      %run_scoped3A = tpu.sem_alloc : memref<!tpu.dma_semaphore, #tpu.memory_space<semaphore_mem>>
      %dma_start3A_13 = tpu.memref_slice %arg4[%mul3A_2] : memref<2048xi32, #tpu.memory_space<hbm>> -> memref<64xi32, #tpu.memory_space<hbm>>
      %dma_start3A_14 = tpu.memref_slice %arg4[%mul3A_2] : memref<2048xi32, #tpu.memory_space<hbm>> -> memref<64xi32, #tpu.memory_space<hbm>>
      tpu.enqueue_dma source(%dma_start3A_14 : memref<64xi32, #tpu.memory_space<hbm>>) target(%arg8 : memref<64xi32, #tpu.memory_space<vmem>>) target_semaphore(%run_scoped3A : memref<!tpu.dma_semaphore, #tpu.memory_space<semaphore_mem>>)
      %dma_wait3A_15 = tpu.memref_slice %arg4[%mul3A_2] : memref<2048xi32, #tpu.memory_space<hbm>> -> memref<64xi32, #tpu.memory_space<hbm>>
      %dma_wait3A_16 = tpu.memref_slice %arg4[%mul3A_2] : memref<2048xi32, #tpu.memory_space<hbm>> -> memref<64xi32, #tpu.memory_space<hbm>>
      tpu.wait_dma2 semaphore(%run_scoped3A : memref<!tpu.dma_semaphore, #tpu.memory_space<semaphore_mem>>) src(%dma_wait3A_16 : memref<64xi32, #tpu.memory_space<hbm>>) dst(%arg8 : memref<64xi32, #tpu.memory_space<vmem>>)
      tpu.yield
    }) : () -> ()
    %dma_start3A = arith.constant 0 : i32
    %dma_start3A_3 = arith.constant 0 : i32
    %dma_start3A_4 = tpu.memref_slice %arg5[%dma_start3A, %dma_start3A_3] : memref<2304x768xf32, #tpu.memory_space<hbm>> -> memref<2304x768xf32, #tpu.memory_space<hbm>>
    tpu.enqueue_indirect_dma source(%arg6 : memref<64x768xf32, #tpu.memory_space<vmem>>) target(%dma_start3A_4 : memref<2304x768xf32, #tpu.memory_space<hbm>>) offsets(%arg7 : memref<64xi32, #tpu.memory_space<vmem>>) semaphore(%arg9 : memref<!tpu.dma_semaphore, #tpu.memory_space<semaphore_mem>>)
    %dma_wait3A = arith.constant 0 : i32
    %dma_wait3A_5 = arith.constant 0 : i32
    %dma_wait3A_6 = tpu.memref_slice %arg5[%dma_wait3A, %dma_wait3A_5] : memref<2304x768xf32, #tpu.memory_space<hbm>> -> memref<2304x768xf32, #tpu.memory_space<hbm>>
    tpu.wait_indirect_dma semaphore(%arg9 : memref<!tpu.dma_semaphore, #tpu.memory_space<semaphore_mem>>) src(%arg6 : memref<64x768xf32, #tpu.memory_space<vmem>>) dst(%dma_wait3A_6 : memref<2304x768xf32, #tpu.memory_space<hbm>>)
    %dma_start3A_7 = arith.constant 0 : i32
    %dma_start3A_8 = arith.constant 0 : i32
    %dma_start3A_9 = tpu.memref_slice %arg5[%dma_start3A_7, %dma_start3A_8] : memref<2304x768xf32, #tpu.memory_space<hbm>> -> memref<2304x768xf32, #tpu.memory_space<hbm>>
    tpu.enqueue_indirect_dma source(%arg6 : memref<64x768xf32, #tpu.memory_space<vmem>>) target(%dma_start3A_9 : memref<2304x768xf32, #tpu.memory_space<hbm>>) offsets(%arg8 : memref<64xi32, #tpu.memory_space<vmem>>) semaphore(%arg9 : memref<!tpu.dma_semaphore, #tpu.memory_space<semaphore_mem>>)
    %dma_wait3A_10 = arith.constant 0 : i32
    %dma_wait3A_11 = arith.constant 0 : i32
    %dma_wait3A_12 = tpu.memref_slice %arg5[%dma_wait3A_10, %dma_wait3A_11] : memref<2304x768xf32, #tpu.memory_space<hbm>> -> memref<2304x768xf32, #tpu.memory_space<hbm>>
    tpu.wait_indirect_dma semaphore(%arg9 : memref<!tpu.dma_semaphore, #tpu.memory_space<semaphore_mem>>) src(%arg6 : memref<64x768xf32, #tpu.memory_space<vmem>>) dst(%dma_wait3A_12 : memref<2304x768xf32, #tpu.memory_space<hbm>>)
    return
  }
}

module attributes {stable_mosaic.version = 14 : i64} {
  func.func @_routing_kernel(%arg0: memref<2048x8xf32, #tpu.memory_space<vmem>>, %arg1: memref<2048x1xi32, #tpu.memory_space<vmem>>, %arg2: memref<2048x1xi32, #tpu.memory_space<vmem>>, %arg3: memref<2048x1xf32, #tpu.memory_space<vmem>>, %arg4: memref<2048x1xf32, #tpu.memory_space<vmem>>, %arg5: memref<2048x1xf32, #tpu.memory_space<vmem>>, %arg6: memref<1x8xf32, #tpu.memory_space<vmem>>, %arg7: memref<1x1xf32, #tpu.memory_space<vmem>>) attributes {dimension_semantics = [], scalar_prefetch = 0 : i64, scratch_operands = 0 : i64, tpu.core_type = #tpu.core_type<tc>} {
    %get3A = arith.constant 0 : index
    %get3A_0 = arith.constant 0 : index
    %get3A_1 = vector.load %arg0[%get3A, %get3A_0] : memref<2048x8xf32, #tpu.memory_space<vmem>>, vector<2048x8xf32>
    %iota3A = tpu.iota {dimensions = array<i32: 1>} : vector<2048x8xi32>
    %reduce_max3A = arith.constant dense<0xFF800000> : vector<2048xf32>
    %reduce_max3A_2 = vector.multi_reduction <maximumf>, %get3A_1, %reduce_max3A [1] : vector<2048x8xf32> to vector<2048xf32>
    %broadcast_in_dim3A = vector.shape_cast %reduce_max3A_2 : vector<2048xf32> to vector<2048x1xf32>
    %eq3A = vector.broadcast %broadcast_in_dim3A : vector<2048x1xf32> to vector<2048x8xf32>
    %eq3A_3 = arith.cmpf oeq, %get3A_1, %eq3A : vector<2048x8xf32>
    %jit3A = arith.constant 8 : i32
    %broadcast_in_dim3A_4 = vector.broadcast %jit3A : i32 to vector<2048x8xi32>
    %select_n3A = arith.select %eq3A_3, %iota3A, %broadcast_in_dim3A_4 : vector<2048x8xi1>, vector<2048x8xi32>
    %reduce_min3A = arith.constant dense<2147483647> : vector<2048xi32>
    %reduce_min3A_5 = vector.multi_reduction <minsi>, %select_n3A, %reduce_min3A [1] : vector<2048x8xi32> to vector<2048xi32>
    %broadcast_in_dim3A_6 = vector.shape_cast %reduce_min3A_5 : vector<2048xi32> to vector<2048x1xi32>
    %eq3A_7 = vector.broadcast %broadcast_in_dim3A_6 : vector<2048x1xi32> to vector<2048x8xi32>
    %eq3A_8 = arith.cmpi eq, %iota3A, %eq3A_7 : vector<2048x8xi32>
    %jit3A_9 = arith.constant 0xFF800000 : f32
    %broadcast_in_dim3A_10 = vector.broadcast %jit3A_9 : f32 to vector<2048x8xf32>
    %select_n3A_11 = arith.select %eq3A_8, %broadcast_in_dim3A_10, %get3A_1 : vector<2048x8xi1>, vector<2048x8xf32>
    %reduce_max3A_12 = arith.constant dense<0xFF800000> : vector<2048xf32>
    %reduce_max3A_13 = vector.multi_reduction <maximumf>, %select_n3A_11, %reduce_max3A_12 [1] : vector<2048x8xf32> to vector<2048xf32>
    %broadcast_in_dim3A_14 = vector.shape_cast %reduce_max3A_13 : vector<2048xf32> to vector<2048x1xf32>
    %eq3A_15 = vector.broadcast %broadcast_in_dim3A_14 : vector<2048x1xf32> to vector<2048x8xf32>
    %eq3A_16 = arith.cmpf oeq, %select_n3A_11, %eq3A_15 : vector<2048x8xf32>
    %jit3A_17 = arith.constant 8 : i32
    %broadcast_in_dim3A_18 = vector.broadcast %jit3A_17 : i32 to vector<2048x8xi32>
    %select_n3A_19 = arith.select %eq3A_16, %iota3A, %broadcast_in_dim3A_18 : vector<2048x8xi1>, vector<2048x8xi32>
    %reduce_min3A_20 = arith.constant dense<2147483647> : vector<2048xi32>
    %reduce_min3A_21 = vector.multi_reduction <minsi>, %select_n3A_19, %reduce_min3A_20 [1] : vector<2048x8xi32> to vector<2048xi32>
    %broadcast_in_dim3A_22 = vector.shape_cast %reduce_min3A_21 : vector<2048xi32> to vector<2048x1xi32>
    %sub3A = arith.subf %broadcast_in_dim3A_14, %broadcast_in_dim3A : vector<2048x1xf32>
    %exp3A = math.exp %sub3A : vector<2048x1xf32>
    %add3A = arith.constant 1.000000e+00 : f32
    %add3A_23 = vector.broadcast %add3A : f32 to vector<2048x1xf32>
    %add3A_24 = arith.addf %add3A_23, %exp3A : vector<2048x1xf32>
    %div3A = arith.constant 1.000000e+00 : f32
    %div3A_25 = vector.broadcast %div3A : f32 to vector<2048x1xf32>
    %div3A_26 = arith.divf %div3A_25, %add3A_24 : vector<2048x1xf32>
    %div3A_27 = arith.divf %exp3A, %add3A_24 : vector<2048x1xf32>
    %add3A_28 = arith.addf %div3A_26, %div3A_27 : vector<2048x1xf32>
    %max3A = arith.constant 9.99999993E-9 : f32
    %max3A_29 = vector.broadcast %max3A : f32 to vector<2048x1xf32>
    %max3A_30 = arith.maximumf %add3A_28, %max3A_29 : vector<2048x1xf32>
    %div3A_31 = arith.divf %div3A_26, %max3A_30 : vector<2048x1xf32>
    %swap3A = arith.constant 0 : index
    %swap3A_32 = arith.constant 0 : index
    %swap3A_33 = vector.load %arg4[%swap3A, %swap3A_32] : memref<2048x1xf32, #tpu.memory_space<vmem>>, vector<2048x1xf32>
    tpu.vector_store %arg4[%swap3A, %swap3A_32], %div3A_31 {strides = array<i32>} : memref<2048x1xf32, #tpu.memory_space<vmem>>, vector<2048x1xf32>,
    %div3A_34 = arith.divf %div3A_27, %max3A_30 : vector<2048x1xf32>
    %swap3A_35 = arith.constant 0 : index
    %swap3A_36 = arith.constant 0 : index
    %swap3A_37 = vector.load %arg5[%swap3A_35, %swap3A_36] : memref<2048x1xf32, #tpu.memory_space<vmem>>, vector<2048x1xf32>
    tpu.vector_store %arg5[%swap3A_35, %swap3A_36], %div3A_34 {strides = array<i32>} : memref<2048x1xf32, #tpu.memory_space<vmem>>, vector<2048x1xf32>,
    %swap3A_38 = arith.constant 0 : index
    %swap3A_39 = arith.constant 0 : index
    %swap3A_40 = vector.load %arg1[%swap3A_38, %swap3A_39] : memref<2048x1xi32, #tpu.memory_space<vmem>>, vector<2048x1xi32>
    tpu.vector_store %arg1[%swap3A_38, %swap3A_39], %broadcast_in_dim3A_6 {strides = array<i32>} : memref<2048x1xi32, #tpu.memory_space<vmem>>, vector<2048x1xi32>,
    %swap3A_41 = arith.constant 0 : index
    %swap3A_42 = arith.constant 0 : index
    %swap3A_43 = vector.load %arg2[%swap3A_41, %swap3A_42] : memref<2048x1xi32, #tpu.memory_space<vmem>>, vector<2048x1xi32>
    tpu.vector_store %arg2[%swap3A_41, %swap3A_42], %broadcast_in_dim3A_22 {strides = array<i32>} : memref<2048x1xi32, #tpu.memory_space<vmem>>, vector<2048x1xi32>,
    %sub3A_44 = arith.subf %broadcast_in_dim3A, %broadcast_in_dim3A_14 : vector<2048x1xf32>
    %swap3A_45 = arith.constant 0 : index
    %swap3A_46 = arith.constant 0 : index
    %swap3A_47 = vector.load %arg3[%swap3A_45, %swap3A_46] : memref<2048x1xf32, #tpu.memory_space<vmem>>, vector<2048x1xf32>
    tpu.vector_store %arg3[%swap3A_45, %swap3A_46], %sub3A_44 {strides = array<i32>} : memref<2048x1xf32, #tpu.memory_space<vmem>>, vector<2048x1xf32>,
    %sub3A_48 = vector.broadcast %broadcast_in_dim3A : vector<2048x1xf32> to vector<2048x8xf32>
    %sub3A_49 = arith.subf %get3A_1, %sub3A_48 : vector<2048x8xf32>
    %exp3A_50 = math.exp %sub3A_49 : vector<2048x8xf32>
    %reduce_sum3A = arith.constant dense<0.000000e+00> : vector<2048xf32>
    %reduce_sum3A_51 = vector.multi_reduction <add>, %exp3A_50, %reduce_sum3A [1] : vector<2048x8xf32> to vector<2048xf32>
    %broadcast_in_dim3A_52 = vector.shape_cast %reduce_sum3A_51 : vector<2048xf32> to vector<2048x1xf32>
    %div3A_53 = vector.broadcast %broadcast_in_dim3A_52 : vector<2048x1xf32> to vector<2048x8xf32>
    %div3A_54 = arith.divf %exp3A_50, %div3A_53 : vector<2048x8xf32>
    %reduce_sum3A_55 = arith.constant dense<0.000000e+00> : vector<8xf32>
    %reduce_sum3A_56 = vector.multi_reduction <add>, %div3A_54, %reduce_sum3A_55 [0] : vector<2048x8xf32> to vector<8xf32>
    %broadcast_in_dim3A_57 = vector.shape_cast %reduce_sum3A_56 : vector<8xf32> to vector<1x8xf32>
    %swap3A_58 = arith.constant 0 : index
    %swap3A_59 = arith.constant 0 : index
    %swap3A_60 = vector.load %arg6[%swap3A_58, %swap3A_59] : memref<1x8xf32, #tpu.memory_space<vmem>>, vector<1x8xf32>
    tpu.vector_store %arg6[%swap3A_58, %swap3A_59], %broadcast_in_dim3A_57 {strides = array<i32>} : memref<1x8xf32, #tpu.memory_space<vmem>>, vector<1x8xf32>,
    %log3A = math.log %broadcast_in_dim3A_52 : vector<2048x1xf32>
    %add3A_61 = arith.addf %broadcast_in_dim3A, %log3A : vector<2048x1xf32>
    %mul3A = arith.mulf %add3A_61, %add3A_61 : vector<2048x1xf32>
    %reduce_sum3A_62 = arith.constant dense<0.000000e+00> : vector<1xf32>
    %reduce_sum3A_63 = vector.multi_reduction <add>, %mul3A, %reduce_sum3A_62 [0] : vector<2048x1xf32> to vector<1xf32>
    %broadcast_in_dim3A_64 = vector.shape_cast %reduce_sum3A_63 : vector<1xf32> to vector<1x1xf32>
    %mul3A_65 = arith.constant 4.88281273E-7 : f32
    %mul3A_66 = vector.broadcast %mul3A_65 : f32 to vector<1x1xf32>
    %mul3A_67 = arith.mulf %broadcast_in_dim3A_64, %mul3A_66 : vector<1x1xf32>
    %swap3A_68 = arith.constant 0 : index
    %swap3A_69 = arith.constant 0 : index
    %swap3A_70 = vector.load %arg7[%swap3A_68, %swap3A_69] : memref<1x1xf32, #tpu.memory_space<vmem>>, vector<1x1xf32>
    tpu.vector_store %arg7[%swap3A_68, %swap3A_69], %mul3A_67 {strides = array<i32>} : memref<1x1xf32, #tpu.memory_space<vmem>>, vector<1x1xf32>,
    return
  }
}

module attributes {stable_mosaic.version = 14 : i64} {
  func.func @_rank_kernel(%arg0: i32, %arg1: memref<128x1xf32, #tpu.memory_space<vmem>>, %arg2: memref<128x1xi32, #tpu.memory_space<vmem>>, %arg3: memref<1x4096xf32, #tpu.memory_space<vmem>>, %arg4: memref<1x4096xi32, #tpu.memory_space<vmem>>, %arg5: memref<128x1xi32, #tpu.memory_space<vmem>>, %arg6: memref<128x1xi32, #tpu.memory_space<vmem>>, %arg7: memref<128x1xi32, #tpu.memory_space<vmem>>) attributes {dimension_semantics = [#tpu.dimension_semantics<arbitrary>], iteration_bounds = array<i64: 32>, scalar_prefetch = 0 : i64, scratch_operands = 0 : i64, tpu.core_type = #tpu.core_type<tc>, window_params = [{transform_indices = @transform_0, window_bounds = array<i64: 128, 1>}, {transform_indices = @transform_1, window_bounds = array<i64: 128, 1>}, {pipeline_mode = #tpu.pipeline_mode<synchronous>, transform_indices = @transform_2, window_bounds = array<i64: 1, 4096>}, {pipeline_mode = #tpu.pipeline_mode<synchronous>, transform_indices = @transform_3, window_bounds = array<i64: 1, 4096>}, {transform_indices = @transform_4, window_bounds = array<i64: 128, 1>}, {transform_indices = @transform_5, window_bounds = array<i64: 128, 1>}, {transform_indices = @transform_6, window_bounds = array<i64: 128, 1>}]} {
    %get3A = arith.constant 0 : index
    %get3A_0 = arith.constant 0 : index
    %get3A_1 = vector.load %arg1[%get3A, %get3A_0] : memref<128x1xf32, #tpu.memory_space<vmem>>, vector<128x1xf32>
    %get3A_2 = arith.constant 0 : index
    %get3A_3 = arith.constant 0 : index
    %get3A_4 = vector.load %arg2[%get3A_2, %get3A_3] : memref<128x1xi32, #tpu.memory_space<vmem>>, vector<128x1xi32>
    %get3A_5 = arith.constant 0 : index
    %get3A_6 = arith.constant 0 : index
    %get3A_7 = vector.load %arg3[%get3A_5, %get3A_6] : memref<1x4096xf32, #tpu.memory_space<vmem>>, vector<1x4096xf32>
    %get3A_8 = arith.constant 0 : index
    %get3A_9 = arith.constant 0 : index
    %get3A_10 = vector.load %arg4[%get3A_8, %get3A_9] : memref<1x4096xi32, #tpu.memory_space<vmem>>, vector<1x4096xi32>
    %mul3A = arith.constant 128 : i32
    %mul3A_11 = arith.muli %arg0, %mul3A : i32
    %iota3A = tpu.iota {dimensions = array<i32: 0>} : vector<128x1xi32>
    %add3A = vector.broadcast %mul3A_11 : i32 to vector<128x1xi32>
    %add3A_12 = arith.addi %add3A, %iota3A : vector<128x1xi32>
    %iota3A_13 = tpu.iota {dimensions = array<i32: 1>} : vector<1x4096xi32>
    %eq3A = vector.broadcast %get3A_10 : vector<1x4096xi32> to vector<128x4096xi32>
    %eq3A_14 = vector.broadcast %get3A_4 : vector<128x1xi32> to vector<128x4096xi32>
    %eq3A_15 = arith.cmpi eq, %eq3A, %eq3A_14 : vector<128x4096xi32>
    %gt3A = vector.broadcast %get3A_7 : vector<1x4096xf32> to vector<128x4096xf32>
    %gt3A_16 = vector.broadcast %get3A_1 : vector<128x1xf32> to vector<128x4096xf32>
    %gt3A_17 = arith.cmpf ogt, %gt3A, %gt3A_16 : vector<128x4096xf32>
    %eq3A_18 = vector.broadcast %get3A_7 : vector<1x4096xf32> to vector<128x4096xf32>
    %eq3A_19 = vector.broadcast %get3A_1 : vector<128x1xf32> to vector<128x4096xf32>
    %eq3A_20 = arith.cmpf oeq, %eq3A_18, %eq3A_19 : vector<128x4096xf32>
    %lt3A = vector.broadcast %iota3A_13 : vector<1x4096xi32> to vector<128x4096xi32>
    %lt3A_21 = vector.broadcast %add3A_12 : vector<128x1xi32> to vector<128x4096xi32>
    %lt3A_22 = arith.cmpi slt, %lt3A, %lt3A_21 : vector<128x4096xi32>
    %and3A = arith.andi %eq3A_20, %lt3A_22 : vector<128x4096xi1>
    %or3A = arith.ori %gt3A_17, %and3A : vector<128x4096xi1>
    %and3A_23 = arith.andi %eq3A_15, %or3A : vector<128x4096xi1>
    %jit3A = arith.constant 1.000000e+00 : f32
    %jit3A_24 = arith.constant 0.000000e+00 : f32
    %broadcast_in_dim3A = vector.broadcast %jit3A : f32 to vector<128x4096xf32>
    %broadcast_in_dim3A_25 = vector.broadcast %jit3A_24 : f32 to vector<128x4096xf32>
    %select_n3A = arith.select %and3A_23, %broadcast_in_dim3A, %broadcast_in_dim3A_25 : vector<128x4096xi1>, vector<128x4096xf32>
    %reduce_sum3A = arith.constant dense<0.000000e+00> : vector<128xf32>
    %reduce_sum3A_26 = vector.multi_reduction <add>, %select_n3A, %reduce_sum3A [1] : vector<128x4096xf32> to vector<128xf32>
    %broadcast_in_dim3A_27 = vector.shape_cast %reduce_sum3A_26 : vector<128xf32> to vector<128x1xf32>
    %convert_element_type3A = arith.fptosi %broadcast_in_dim3A_27 : vector<128x1xf32> to vector<128x1xi32>
    %lt3A_28 = arith.constant 256 : i32
    %lt3A_29 = vector.broadcast %lt3A_28 : i32 to vector<128x1xi32>
    %lt3A_30 = arith.cmpi slt, %convert_element_type3A, %lt3A_29 : vector<128x1xi32>
    %swap3A = arith.constant 0 : index
    %swap3A_31 = arith.constant 0 : index
    %swap3A_32 = vector.load %arg5[%swap3A, %swap3A_31] : memref<128x1xi32, #tpu.memory_space<vmem>>, vector<128x1xi32>
    tpu.vector_store %arg5[%swap3A, %swap3A_31], %convert_element_type3A {strides = array<i32>} : memref<128x1xi32, #tpu.memory_space<vmem>>, vector<128x1xi32>,
    %convert_element_type3A_33 = arith.extui %lt3A_30 : vector<128x1xi1> to vector<128x1xi32>
    %swap3A_34 = arith.constant 0 : index
    %swap3A_35 = arith.constant 0 : index
    %swap3A_36 = vector.load %arg6[%swap3A_34, %swap3A_35] : memref<128x1xi32, #tpu.memory_space<vmem>>, vector<128x1xi32>
    tpu.vector_store %arg6[%swap3A_34, %swap3A_35], %convert_element_type3A_33 {strides = array<i32>} : memref<128x1xi32, #tpu.memory_space<vmem>>, vector<128x1xi32>,
    %mul3A_37 = arith.constant 256 : i32
    %mul3A_38 = vector.broadcast %mul3A_37 : i32 to vector<128x1xi32>
    %mul3A_39 = arith.muli %get3A_4, %mul3A_38 : vector<128x1xi32>
    %add3A_40 = arith.addi %mul3A_39, %convert_element_type3A : vector<128x1xi32>
    %and3A_41 = arith.constant 255 : i32
    %and3A_42 = vector.broadcast %and3A_41 : i32 to vector<128x1xi32>
    %and3A_43 = arith.andi %add3A_12, %and3A_42 : vector<128x1xi32>
    %add3A_44 = arith.constant 2048 : i32
    %add3A_45 = vector.broadcast %add3A_44 : i32 to vector<128x1xi32>
    %add3A_46 = arith.addi %add3A_45, %and3A_43 : vector<128x1xi32>
    %select_n3A_47 = arith.select %lt3A_30, %add3A_40, %add3A_46 : vector<128x1xi1>, vector<128x1xi32>
    %swap3A_48 = arith.constant 0 : index
    %swap3A_49 = arith.constant 0 : index
    %swap3A_50 = vector.load %arg7[%swap3A_48, %swap3A_49] : memref<128x1xi32, #tpu.memory_space<vmem>>, vector<128x1xi32>
    tpu.vector_store %arg7[%swap3A_48, %swap3A_49], %select_n3A_47 {strides = array<i32>} : memref<128x1xi32, #tpu.memory_space<vmem>>, vector<128x1xi32>,
    return
  }
  func.func @transform_0(%arg0: i32) -> (i32, i32) {
    %c0_i32 = arith.constant 0 : i32
    %c0_i32_0 = arith.constant 0 : i32
    return %arg0, %c0_i32 : i32, i32
  }
  func.func @transform_1(%arg0: i32) -> (i32, i32) {
    %c0_i32 = arith.constant 0 : i32
    %c0_i32_0 = arith.constant 0 : i32
    return %arg0, %c0_i32 : i32, i32
  }
  func.func @transform_2(%arg0: i32) -> (i32, i32) {
    %c0_i32 = arith.constant 0 : i32
    %c0_i32_0 = arith.constant 0 : i32
    %c0_i32_1 = arith.constant 0 : i32
    return %c0_i32, %c0_i32_0 : i32, i32
  }
  func.func @transform_3(%arg0: i32) -> (i32, i32) {
    %c0_i32 = arith.constant 0 : i32
    %c0_i32_0 = arith.constant 0 : i32
    %c0_i32_1 = arith.constant 0 : i32
    return %c0_i32, %c0_i32_0 : i32, i32
  }
  func.func @transform_4(%arg0: i32) -> (i32, i32) {
    %c0_i32 = arith.constant 0 : i32
    %c0_i32_0 = arith.constant 0 : i32
    return %arg0, %c0_i32 : i32, i32
  }
  func.func @transform_5(%arg0: i32) -> (i32, i32) {
    %c0_i32 = arith.constant 0 : i32
    %c0_i32_0 = arith.constant 0 : i32
    return %arg0, %c0_i32 : i32, i32
  }
  func.func @transform_6(%arg0: i32) -> (i32, i32) {
    %c0_i32 = arith.constant 0 : i32
    %c0_i32_0 = arith.constant 0 : i32
    return %arg0, %c0_i32 : i32, i32
  }
}

module attributes {stable_mosaic.version = 14 : i64} {
  func.func @_expert_kernel(%arg0: i32, %arg1: i32, %arg2: memref<256x768xf32, #tpu.memory_space<vmem>>, %arg3: memref<1x1024x768xf32, #tpu.memory_space<vmem>>, %arg4: memref<1x1024x768xf32, #tpu.memory_space<vmem>>, %arg5: memref<1x768x1024xf32, #tpu.memory_space<vmem>>, %arg6: memref<2048x1xi32, #tpu.memory_space<vmem>>, %arg7: memref<2048x1xi32, #tpu.memory_space<vmem>>, %arg8: memref<2048x1xi32, #tpu.memory_space<vmem>>, %arg9: memref<2048x1xi32, #tpu.memory_space<vmem>>, %arg10: memref<2048x1xi32, #tpu.memory_space<vmem>>, %arg11: memref<2048x1xi32, #tpu.memory_space<vmem>>, %arg12: memref<2048x1xf32, #tpu.memory_space<vmem>>, %arg13: memref<2048x1xf32, #tpu.memory_space<vmem>>, %arg14: memref<1x8xf32, #tpu.memory_space<vmem>>, %arg15: memref<2048x768xf32, #tpu.memory_space<vmem>>, %arg16: memref<1x1xf32, #tpu.memory_space<vmem>>, %arg17: memref<256x768xf32, #tpu.memory_space<vmem>>) attributes {dimension_semantics = [#tpu.dimension_semantics<arbitrary>, #tpu.dimension_semantics<arbitrary>], iteration_bounds = array<i64: 8, 2>, scalar_prefetch = 0 : i64, scratch_operands = 1 : i64, tpu.core_type = #tpu.core_type<tc>, window_params = [{transform_indices = @transform_0, window_bounds = array<i64: 256, 768>}, {transform_indices = @transform_1, window_bounds = array<i64: 1, 1024, 768>}, {transform_indices = @transform_2, window_bounds = array<i64: 1, 1024, 768>}, {transform_indices = @transform_3, window_bounds = array<i64: 1, 768, 1024>}, {pipeline_mode = #tpu.pipeline_mode<synchronous>, transform_indices = @transform_4, window_bounds = array<i64: 2048, 1>}, {pipeline_mode = #tpu.pipeline_mode<synchronous>, transform_indices = @transform_5, window_bounds = array<i64: 2048, 1>}, {pipeline_mode = #tpu.pipeline_mode<synchronous>, transform_indices = @transform_6, window_bounds = array<i64: 2048, 1>}, {pipeline_mode = #tpu.pipeline_mode<synchronous>, transform_indices = @transform_7, window_bounds = array<i64: 2048, 1>}, {pipeline_mode = #tpu.pipeline_mode<synchronous>, transform_indices = @transform_8, window_bounds = array<i64: 2048, 1>}, {pipeline_mode = #tpu.pipeline_mode<synchronous>, transform_indices = @transform_9, window_bounds = array<i64: 2048, 1>}, {pipeline_mode = #tpu.pipeline_mode<synchronous>, transform_indices = @transform_10, window_bounds = array<i64: 2048, 1>}, {pipeline_mode = #tpu.pipeline_mode<synchronous>, transform_indices = @transform_11, window_bounds = array<i64: 2048, 1>}, {pipeline_mode = #tpu.pipeline_mode<synchronous>, transform_indices = @transform_12, window_bounds = array<i64: 1, 8>}, {pipeline_mode = #tpu.pipeline_mode<synchronous>, transform_indices = @transform_13, window_bounds = array<i64: 2048, 768>}, {pipeline_mode = #tpu.pipeline_mode<synchronous>, transform_indices = @transform_14, window_bounds = array<i64: 1, 1>}]} {
    %eq3A = arith.constant 0 : i32
    %eq3A_0 = arith.cmpi eq, %arg0, %eq3A : i32
    %eq3A_1 = arith.constant 0 : i32
    %eq3A_2 = arith.cmpi eq, %arg1, %eq3A_1 : i32
    %and3A = arith.andi %eq3A_0, %eq3A_2 : i1
    %convert_element_type3A = arith.extui %and3A : i1 to i32
    %cond3A = arith.constant 0 : i32
    %cond3A_3 = arith.cmpi ne, %convert_element_type3A, %cond3A : i32
    scf.if %cond3A_3 {
      %broadcast_in_dim3A = arith.constant 0.000000e+00 : f32
      %broadcast_in_dim3A_51 = vector.broadcast %broadcast_in_dim3A : f32 to vector<2048x768xf32>
      %swap3A = arith.constant 0 : index
      %swap3A_52 = arith.constant 0 : index
      %swap3A_53 = vector.load %arg15[%swap3A, %swap3A_52] : memref<2048x768xf32, #tpu.memory_space<vmem>>, vector<2048x768xf32>
      tpu.vector_store %arg15[%swap3A, %swap3A_52], %broadcast_in_dim3A_51 {strides = array<i32>} : memref<2048x768xf32, #tpu.memory_space<vmem>>, vector<2048x768xf32>,
      %broadcast_in_dim3A_54 = arith.constant 0.000000e+00 : f32
      %broadcast_in_dim3A_55 = vector.broadcast %broadcast_in_dim3A_54 : f32 to vector<1x1xf32>
      %swap3A_56 = arith.constant 0 : index
      %swap3A_57 = arith.constant 0 : index
      %swap3A_58 = vector.load %arg16[%swap3A_56, %swap3A_57] : memref<1x1xf32, #tpu.memory_space<vmem>>, vector<1x1xf32>
      tpu.vector_store %arg16[%swap3A_56, %swap3A_57], %broadcast_in_dim3A_55 {strides = array<i32>} : memref<1x1xf32, #tpu.memory_space<vmem>>, vector<1x1xf32>,
    } else {
    }
    %get3A = arith.constant 0 : index
    %get3A_4 = arith.constant 0 : index
    %get3A_5 = vector.load %arg2[%get3A, %get3A_4] : memref<256x768xf32, #tpu.memory_space<vmem>>, vector<256x768xf32>
    %convert_element_type3A_6 = arith.truncf %get3A_5 : vector<256x768xf32> to vector<256x768xbf16>
    %get3A_7 = arith.constant 0 : index
    %get3A_8 = arith.constant 0 : index
    %get3A_9 = arith.constant 0 : index
    %get3A_10 = vector.load %arg3[%get3A_7, %get3A_8, %get3A_9] : memref<1x1024x768xf32, #tpu.memory_space<vmem>>, vector<1x1024x768xf32>
    %get3A_11 = vector.shape_cast %get3A_10 : vector<1x1024x768xf32> to vector<1024x768xf32>
    %convert_element_type3A_12 = arith.truncf %get3A_11 : vector<1024x768xf32> to vector<1024x768xbf16>
    %get3A_13 = arith.constant 0 : index
    %get3A_14 = arith.constant 0 : index
    %get3A_15 = arith.constant 0 : index
    %get3A_16 = vector.load %arg4[%get3A_13, %get3A_14, %get3A_15] : memref<1x1024x768xf32, #tpu.memory_space<vmem>>, vector<1x1024x768xf32>
    %get3A_17 = vector.shape_cast %get3A_16 : vector<1x1024x768xf32> to vector<1024x768xf32>
    %convert_element_type3A_18 = arith.truncf %get3A_17 : vector<1024x768xf32> to vector<1024x768xbf16>
    %get3A_19 = arith.constant 0 : index
    %get3A_20 = arith.constant 0 : index
    %get3A_21 = arith.constant 0 : index
    %get3A_22 = vector.load %arg5[%get3A_19, %get3A_20, %get3A_21] : memref<1x768x1024xf32, #tpu.memory_space<vmem>>, vector<1x768x1024xf32>
    %get3A_23 = vector.shape_cast %get3A_22 : vector<1x768x1024xf32> to vector<768x1024xf32>
    %convert_element_type3A_24 = arith.truncf %get3A_23 : vector<768x1024xf32> to vector<768x1024xbf16>
    %dot_general3A = arith.constant dense<0.000000e+00> : vector<256x1024xf32>
    %dot_general3A_25 = tpu.matmul %convert_element_type3A_6, %convert_element_type3A_12, %dot_general3A {dimension_numbers = #tpu.dot_dimension_numbers<[1], [1], [0], [0], [0, 0, 1, 0], [], []>, transpose_lhs_hint = false} : vector<256x768xbf16>, vector<1024x768xbf16>, vector<256x1024xf32> -> vector<256x1024xf32>
    %dot_general3A_26 = arith.constant dense<0.000000e+00> : vector<256x1024xf32>
    %dot_general3A_27 = tpu.matmul %convert_element_type3A_6, %convert_element_type3A_18, %dot_general3A_26 {dimension_numbers = #tpu.dot_dimension_numbers<[1], [1], [0], [0], [0, 0, 1, 0], [], []>, transpose_lhs_hint = false} : vector<256x768xbf16>, vector<1024x768xbf16>, vector<256x1024xf32> -> vector<256x1024xf32>
    %logistic3A = arith.negf %dot_general3A_25 : vector<256x1024xf32>
    %logistic3A_28 = math.exp %logistic3A : vector<256x1024xf32>
    %logistic3A_29 = arith.constant 1.000000e+00 : f32
    %logistic3A_30 = vector.broadcast %logistic3A_29 : f32 to vector<256x1024xf32>
    %logistic3A_31 = arith.addf %logistic3A_30, %logistic3A_28 : vector<256x1024xf32>
    %logistic3A_32 = arith.divf %logistic3A_30, %logistic3A_31 : vector<256x1024xf32>
    %mul3A = arith.mulf %dot_general3A_25, %logistic3A_32 : vector<256x1024xf32>
    %mul3A_33 = arith.mulf %mul3A, %dot_general3A_27 : vector<256x1024xf32>
    %convert_element_type3A_34 = arith.truncf %mul3A_33 : vector<256x1024xf32> to vector<256x1024xbf16>
    %dot_general3A_35 = arith.constant dense<0.000000e+00> : vector<256x768xf32>
    %dot_general3A_36 = tpu.matmul %convert_element_type3A_34, %convert_element_type3A_24, %dot_general3A_35 {dimension_numbers = #tpu.dot_dimension_numbers<[1], [1], [0], [0], [0, 0, 1, 0], [], []>, transpose_lhs_hint = false} : vector<256x1024xbf16>, vector<768x1024xbf16>, vector<256x768xf32> -> vector<256x768xf32>
    %eq3A_37 = arith.constant 0 : i32
    %eq3A_38 = arith.cmpi eq, %arg1, %eq3A_37 : i32
    %convert_element_type3A_39 = arith.extui %eq3A_38 : i1 to i32
    %cond3A_40 = arith.constant 0 : i32
    %cond3A_41 = arith.cmpi ne, %convert_element_type3A_39, %cond3A_40 : i32
    scf.if %cond3A_41 {
      %swap3A = arith.constant 0 : index
      %swap3A_51 = arith.constant 0 : index
      %swap3A_52 = vector.load %arg17[%swap3A, %swap3A_51] : memref<256x768xf32, #tpu.memory_space<vmem>>, vector<256x768xf32>
      tpu.vector_store %arg17[%swap3A, %swap3A_51], %dot_general3A_36 {strides = array<i32>} : memref<256x768xf32, #tpu.memory_space<vmem>>, vector<256x768xf32>,
    } else {
    }
    %ne3A = arith.constant 0 : i32
    %ne3A_42 = arith.cmpi ne, %arg1, %ne3A : i32
    %convert_element_type3A_43 = arith.extui %ne3A_42 : i1 to i32
    %cond3A_44 = arith.constant 0 : i32
    %cond3A_45 = arith.cmpi ne, %convert_element_type3A_43, %cond3A_44 : i32
    scf.if %cond3A_45 {
      %get3A_51 = arith.constant 0 : index
      %get3A_52 = arith.constant 0 : index
      %get3A_53 = vector.load %arg17[%get3A_51, %get3A_52] : memref<256x768xf32, #tpu.memory_space<vmem>>, vector<256x768xf32>
      %add3A = arith.addf %get3A_53, %dot_general3A_36 : vector<256x768xf32>
      %swap3A = arith.constant 0 : index
      %swap3A_54 = arith.constant 0 : index
      %swap3A_55 = vector.load %arg17[%swap3A, %swap3A_54] : memref<256x768xf32, #tpu.memory_space<vmem>>, vector<256x768xf32>
      tpu.vector_store %arg17[%swap3A, %swap3A_54], %add3A {strides = array<i32>} : memref<256x768xf32, #tpu.memory_space<vmem>>, vector<256x768xf32>,
    } else {
    }
    %eq3A_46 = arith.constant 1 : i32
    %eq3A_47 = arith.cmpi eq, %arg1, %eq3A_46 : i32
    %convert_element_type3A_48 = arith.extui %eq3A_47 : i1 to i32
    %cond3A_49 = arith.constant 0 : i32
    %cond3A_50 = arith.cmpi ne, %convert_element_type3A_48, %cond3A_49 : i32
    scf.if %cond3A_50 {
      %get3A_51 = arith.constant 0 : index
      %get3A_52 = arith.constant 0 : index
      %get3A_53 = vector.load %arg6[%get3A_51, %get3A_52] : memref<2048x1xi32, #tpu.memory_space<vmem>>, vector<2048x1xi32>
      %eq3A_54 = vector.broadcast %arg0 : i32 to vector<2048x1xi32>
      %eq3A_55 = arith.cmpi eq, %get3A_53, %eq3A_54 : vector<2048x1xi32>
      %get3A_56 = arith.constant 0 : index
      %get3A_57 = arith.constant 0 : index
      %get3A_58 = vector.load %arg10[%get3A_56, %get3A_57] : memref<2048x1xi32, #tpu.memory_space<vmem>>, vector<2048x1xi32>
      %eq3A_59 = arith.constant 1 : i32
      %eq3A_60 = vector.broadcast %eq3A_59 : i32 to vector<2048x1xi32>
      %eq3A_61 = arith.cmpi eq, %get3A_58, %eq3A_60 : vector<2048x1xi32>
      %and3A_62 = arith.andi %eq3A_55, %eq3A_61 : vector<2048x1xi1>
      %get3A_63 = arith.constant 0 : index
      %get3A_64 = arith.constant 0 : index
      %get3A_65 = vector.load %arg8[%get3A_63, %get3A_64] : memref<2048x1xi32, #tpu.memory_space<vmem>>, vector<2048x1xi32>
      %get3A_66 = arith.constant 0 : index
      %get3A_67 = arith.constant 0 : index
      %get3A_68 = vector.load %arg7[%get3A_66, %get3A_67] : memref<2048x1xi32, #tpu.memory_space<vmem>>, vector<2048x1xi32>
      %eq3A_69 = vector.broadcast %arg0 : i32 to vector<2048x1xi32>
      %eq3A_70 = arith.cmpi eq, %get3A_68, %eq3A_69 : vector<2048x1xi32>
      %get3A_71 = arith.constant 0 : index
      %get3A_72 = arith.constant 0 : index
      %get3A_73 = vector.load %arg11[%get3A_71, %get3A_72] : memref<2048x1xi32, #tpu.memory_space<vmem>>, vector<2048x1xi32>
      %eq3A_74 = arith.constant 1 : i32
      %eq3A_75 = vector.broadcast %eq3A_74 : i32 to vector<2048x1xi32>
      %eq3A_76 = arith.cmpi eq, %get3A_73, %eq3A_75 : vector<2048x1xi32>
      %and3A_77 = arith.andi %eq3A_70, %eq3A_76 : vector<2048x1xi1>
      %get3A_78 = arith.constant 0 : index
      %get3A_79 = arith.constant 0 : index
      %get3A_80 = vector.load %arg9[%get3A_78, %get3A_79] : memref<2048x1xi32, #tpu.memory_space<vmem>>, vector<2048x1xi32>
      %jit3A = arith.constant -1 : i32
      %broadcast_in_dim3A = vector.broadcast %jit3A : i32 to vector<2048x1xi32>
      %select_n3A = arith.select %and3A_77, %get3A_80, %broadcast_in_dim3A : vector<2048x1xi1>, vector<2048x1xi32>
      %select_n3A_81 = arith.select %and3A_62, %get3A_65, %select_n3A : vector<2048x1xi1>, vector<2048x1xi32>
      %get3A_82 = arith.constant 0 : index
      %get3A_83 = arith.constant 0 : index
      %get3A_84 = vector.load %arg6[%get3A_82, %get3A_83] : memref<2048x1xi32, #tpu.memory_space<vmem>>, vector<2048x1xi32>
      %eq3A_85 = vector.broadcast %arg0 : i32 to vector<2048x1xi32>
      %eq3A_86 = arith.cmpi eq, %get3A_84, %eq3A_85 : vector<2048x1xi32>
      %get3A_87 = arith.constant 0 : index
      %get3A_88 = arith.constant 0 : index
      %get3A_89 = vector.load %arg10[%get3A_87, %get3A_88] : memref<2048x1xi32, #tpu.memory_space<vmem>>, vector<2048x1xi32>
      %eq3A_90 = arith.constant 1 : i32
      %eq3A_91 = vector.broadcast %eq3A_90 : i32 to vector<2048x1xi32>
      %eq3A_92 = arith.cmpi eq, %get3A_89, %eq3A_91 : vector<2048x1xi32>
      %and3A_93 = arith.andi %eq3A_86, %eq3A_92 : vector<2048x1xi1>
      %get3A_94 = arith.constant 0 : index
      %get3A_95 = arith.constant 0 : index
      %get3A_96 = vector.load %arg12[%get3A_94, %get3A_95] : memref<2048x1xf32, #tpu.memory_space<vmem>>, vector<2048x1xf32>
      %get3A_97 = arith.constant 0 : index
      %get3A_98 = arith.constant 0 : index
      %get3A_99 = vector.load %arg7[%get3A_97, %get3A_98] : memref<2048x1xi32, #tpu.memory_space<vmem>>, vector<2048x1xi32>
      %eq3A_100 = vector.broadcast %arg0 : i32 to vector<2048x1xi32>
      %eq3A_101 = arith.cmpi eq, %get3A_99, %eq3A_100 : vector<2048x1xi32>
      %get3A_102 = arith.constant 0 : index
      %get3A_103 = arith.constant 0 : index
      %get3A_104 = vector.load %arg11[%get3A_102, %get3A_103] : memref<2048x1xi32, #tpu.memory_space<vmem>>, vector<2048x1xi32>
      %eq3A_105 = arith.constant 1 : i32
      %eq3A_106 = vector.broadcast %eq3A_105 : i32 to vector<2048x1xi32>
      %eq3A_107 = arith.cmpi eq, %get3A_104, %eq3A_106 : vector<2048x1xi32>
      %and3A_108 = arith.andi %eq3A_101, %eq3A_107 : vector<2048x1xi1>
      %get3A_109 = arith.constant 0 : index
      %get3A_110 = arith.constant 0 : index
      %get3A_111 = vector.load %arg13[%get3A_109, %get3A_110] : memref<2048x1xf32, #tpu.memory_space<vmem>>, vector<2048x1xf32>
      %jit3A_112 = arith.constant 0.000000e+00 : f32
      %broadcast_in_dim3A_113 = vector.broadcast %jit3A_112 : f32 to vector<2048x1xf32>
      %select_n3A_114 = arith.select %and3A_108, %get3A_111, %broadcast_in_dim3A_113 : vector<2048x1xi1>, vector<2048x1xf32>
      %select_n3A_115 = arith.select %and3A_93, %get3A_96, %select_n3A_114 : vector<2048x1xi1>, vector<2048x1xf32>
      %iota3A = tpu.iota {dimensions = array<i32: 1>} : vector<2048x256xi32>
      %eq3A_116 = vector.broadcast %select_n3A_81 : vector<2048x1xi32> to vector<2048x256xi32>
      %eq3A_117 = arith.cmpi eq, %iota3A, %eq3A_116 : vector<2048x256xi32>
      %convert_element_type3A_118 = arith.extui %eq3A_117 : vector<2048x256xi1> to vector<2048x256xi32>
      %convert_element_type3A_119 = arith.sitofp %convert_element_type3A_118 : vector<2048x256xi32> to vector<2048x256xf32>
      %convert_element_type3A_120 = arith.truncf %convert_element_type3A_119 : vector<2048x256xf32> to vector<2048x256xbf16>
      %get3A_121 = arith.constant 0 : index
      %get3A_122 = arith.constant 0 : index
      %get3A_123 = vector.load %arg17[%get3A_121, %get3A_122] : memref<256x768xf32, #tpu.memory_space<vmem>>, vector<256x768xf32>
      %convert_element_type3A_124 = arith.truncf %get3A_123 : vector<256x768xf32> to vector<256x768xbf16>
      %dot_general3A_125 = arith.constant dense<0.000000e+00> : vector<2048x768xf32>
      %dot_general3A_126 = tpu.matmul %convert_element_type3A_120, %convert_element_type3A_124, %dot_general3A_125 {dimension_numbers = #tpu.dot_dimension_numbers<[1], [0], [0], [1], [0, 0, 1, 1], [], []>, transpose_lhs_hint = false} : vector<2048x256xbf16>, vector<256x768xbf16>, vector<2048x768xf32> -> vector<2048x768xf32>
      %get3A_127 = arith.constant 0 : index
      %get3A_128 = arith.constant 0 : index
      %get3A_129 = vector.load %arg15[%get3A_127, %get3A_128] : memref<2048x768xf32, #tpu.memory_space<vmem>>, vector<2048x768xf32>
      %mul3A_130 = vector.broadcast %select_n3A_115 : vector<2048x1xf32> to vector<2048x768xf32>
      %mul3A_131 = arith.mulf %mul3A_130, %dot_general3A_126 : vector<2048x768xf32>
      %add3A = arith.addf %get3A_129, %mul3A_131 : vector<2048x768xf32>
      %swap3A = arith.constant 0 : index
      %swap3A_132 = arith.constant 0 : index
      %swap3A_133 = vector.load %arg15[%swap3A, %swap3A_132] : memref<2048x768xf32, #tpu.memory_space<vmem>>, vector<2048x768xf32>
      tpu.vector_store %arg15[%swap3A, %swap3A_132], %add3A {strides = array<i32>} : memref<2048x768xf32, #tpu.memory_space<vmem>>, vector<2048x768xf32>,
      %get3A_134 = arith.constant 0 : index
      %get3A_135 = arith.constant 0 : index
      %get3A_136 = vector.load %arg6[%get3A_134, %get3A_135] : memref<2048x1xi32, #tpu.memory_space<vmem>>, vector<2048x1xi32>
      %eq3A_137 = vector.broadcast %arg0 : i32 to vector<2048x1xi32>
      %eq3A_138 = arith.cmpi eq, %get3A_136, %eq3A_137 : vector<2048x1xi32>
      %get3A_139 = arith.constant 0 : index
      %get3A_140 = arith.constant 0 : index
      %get3A_141 = vector.load %arg10[%get3A_139, %get3A_140] : memref<2048x1xi32, #tpu.memory_space<vmem>>, vector<2048x1xi32>
      %eq3A_142 = arith.constant 1 : i32
      %eq3A_143 = vector.broadcast %eq3A_142 : i32 to vector<2048x1xi32>
      %eq3A_144 = arith.cmpi eq, %get3A_141, %eq3A_143 : vector<2048x1xi32>
      %and3A_145 = arith.andi %eq3A_138, %eq3A_144 : vector<2048x1xi1>
      %jit3A_146 = arith.constant 1.000000e+00 : f32
      %jit3A_147 = arith.constant 0.000000e+00 : f32
      %broadcast_in_dim3A_148 = vector.broadcast %jit3A_146 : f32 to vector<2048x1xf32>
      %broadcast_in_dim3A_149 = vector.broadcast %jit3A_147 : f32 to vector<2048x1xf32>
      %select_n3A_150 = arith.select %and3A_145, %broadcast_in_dim3A_148, %broadcast_in_dim3A_149 : vector<2048x1xi1>, vector<2048x1xf32>
      %reduce_sum3A = arith.constant dense<0.000000e+00> : vector<1xf32>
      %reduce_sum3A_151 = vector.multi_reduction <add>, %select_n3A_150, %reduce_sum3A [0] : vector<2048x1xf32> to vector<1xf32>
      %broadcast_in_dim3A_152 = vector.shape_cast %reduce_sum3A_151 : vector<1xf32> to vector<1x1xf32>
      %iota3A_153 = tpu.iota {dimensions = array<i32: 1>} : vector<1x8xi32>
      %eq3A_154 = vector.broadcast %arg0 : i32 to vector<1x8xi32>
      %eq3A_155 = arith.cmpi eq, %iota3A_153, %eq3A_154 : vector<1x8xi32>
      %get3A_156 = arith.constant 0 : index
      %get3A_157 = arith.constant 0 : index
      %get3A_158 = vector.load %arg14[%get3A_156, %get3A_157] : memref<1x8xf32, #tpu.memory_space<vmem>>, vector<1x8xf32>
      %jit3A_159 = arith.constant 0.000000e+00 : f32
      %broadcast_in_dim3A_160 = vector.broadcast %jit3A_159 : f32 to vector<1x8xf32>
      %select_n3A_161 = arith.select %eq3A_155, %get3A_158, %broadcast_in_dim3A_160 : vector<1x8xi1>, vector<1x8xf32>
      %reduce_sum3A_162 = arith.constant dense<0.000000e+00> : vector<1xf32>
      %reduce_sum3A_163 = vector.multi_reduction <add>, %select_n3A_161, %reduce_sum3A_162 [1] : vector<1x8xf32> to vector<1xf32>
      %broadcast_in_dim3A_164 = vector.shape_cast %reduce_sum3A_163 : vector<1xf32> to vector<1x1xf32>
      %get3A_165 = arith.constant 0 : index
      %get3A_166 = arith.constant 0 : index
      %get3A_167 = vector.load %arg16[%get3A_165, %get3A_166] : memref<1x1xf32, #tpu.memory_space<vmem>>, vector<1x1xf32>
      %mul3A_168 = arith.mulf %broadcast_in_dim3A_164, %broadcast_in_dim3A_152 : vector<1x1xf32>
      %mul3A_169 = arith.constant 6.10351549E-7 : f32
      %mul3A_170 = vector.broadcast %mul3A_169 : f32 to vector<1x1xf32>
      %mul3A_171 = arith.mulf %mul3A_168, %mul3A_170 : vector<1x1xf32>
      %add3A_172 = arith.addf %get3A_167, %mul3A_171 : vector<1x1xf32>
      %swap3A_173 = arith.constant 0 : index
      %swap3A_174 = arith.constant 0 : index
      %swap3A_175 = vector.load %arg16[%swap3A_173, %swap3A_174] : memref<1x1xf32, #tpu.memory_space<vmem>>, vector<1x1xf32>
      tpu.vector_store %arg16[%swap3A_173, %swap3A_174], %add3A_172 {strides = array<i32>} : memref<1x1xf32, #tpu.memory_space<vmem>>, vector<1x1xf32>,
    } else {
    }
    return
  }
  func.func @transform_0(%arg0: i32, %arg1: i32) -> (i32, i32) {
    %c0_i32 = arith.constant 0 : i32
    %c0_i32_0 = arith.constant 0 : i32
    return %arg0, %c0_i32 : i32, i32
  }
  func.func @transform_1(%arg0: i32, %arg1: i32) -> (i32, i32, i32) {
    %c0_i32 = arith.constant 0 : i32
    %c0_i32_0 = arith.constant 0 : i32
    return %arg0, %arg1, %c0_i32 : i32, i32, i32
  }
  func.func @transform_2(%arg0: i32, %arg1: i32) -> (i32, i32, i32) {
    %c0_i32 = arith.constant 0 : i32
    %c0_i32_0 = arith.constant 0 : i32
    return %arg0, %arg1, %c0_i32 : i32, i32, i32
  }
  func.func @transform_3(%arg0: i32, %arg1: i32) -> (i32, i32, i32) {
    %c0_i32 = arith.constant 0 : i32
    %c0_i32_0 = arith.constant 0 : i32
    return %arg0, %c0_i32, %arg1 : i32, i32, i32
  }
  func.func @transform_4(%arg0: i32, %arg1: i32) -> (i32, i32) {
    %c0_i32 = arith.constant 0 : i32
    %c0_i32_0 = arith.constant 0 : i32
    %c0_i32_1 = arith.constant 0 : i32
    return %c0_i32, %c0_i32_0 : i32, i32
  }
  func.func @transform_5(%arg0: i32, %arg1: i32) -> (i32, i32) {
    %c0_i32 = arith.constant 0 : i32
    %c0_i32_0 = arith.constant 0 : i32
    %c0_i32_1 = arith.constant 0 : i32
    return %c0_i32, %c0_i32_0 : i32, i32
  }
  func.func @transform_6(%arg0: i32, %arg1: i32) -> (i32, i32) {
    %c0_i32 = arith.constant 0 : i32
    %c0_i32_0 = arith.constant 0 : i32
    %c0_i32_1 = arith.constant 0 : i32
    return %c0_i32, %c0_i32_0 : i32, i32
  }
  func.func @transform_7(%arg0: i32, %arg1: i32) -> (i32, i32) {
    %c0_i32 = arith.constant 0 : i32
    %c0_i32_0 = arith.constant 0 : i32
    %c0_i32_1 = arith.constant 0 : i32
    return %c0_i32, %c0_i32_0 : i32, i32
  }
  func.func @transform_8(%arg0: i32, %arg1: i32) -> (i32, i32) {
    %c0_i32 = arith.constant 0 : i32
    %c0_i32_0 = arith.constant 0 : i32
    %c0_i32_1 = arith.constant 0 : i32
    return %c0_i32, %c0_i32_0 : i32, i32
  }
  func.func @transform_9(%arg0: i32, %arg1: i32) -> (i32, i32) {
    %c0_i32 = arith.constant 0 : i32
    %c0_i32_0 = arith.constant 0 : i32
    %c0_i32_1 = arith.constant 0 : i32
    return %c0_i32, %c0_i32_0 : i32, i32
  }
  func.func @transform_10(%arg0: i32, %arg1: i32) -> (i32, i32) {
    %c0_i32 = arith.constant 0 : i32
    %c0_i32_0 = arith.constant 0 : i32
    %c0_i32_1 = arith.constant 0 : i32
    return %c0_i32, %c0_i32_0 : i32, i32
  }
  func.func @transform_11(%arg0: i32, %arg1: i32) -> (i32, i32) {
    %c0_i32 = arith.constant 0 : i32
    %c0_i32_0 = arith.constant 0 : i32
    %c0_i32_1 = arith.constant 0 : i32
    return %c0_i32, %c0_i32_0 : i32, i32
  }
  func.func @transform_12(%arg0: i32, %arg1: i32) -> (i32, i32) {
    %c0_i32 = arith.constant 0 : i32
    %c0_i32_0 = arith.constant 0 : i32
    %c0_i32_1 = arith.constant 0 : i32
    return %c0_i32, %c0_i32_0 : i32, i32
  }
  func.func @transform_13(%arg0: i32, %arg1: i32) -> (i32, i32) {
    %c0_i32 = arith.constant 0 : i32
    %c0_i32_0 = arith.constant 0 : i32
    %c0_i32_1 = arith.constant 0 : i32
    return %c0_i32, %c0_i32_0 : i32, i32
  }
  func.func @transform_14(%arg0: i32, %arg1: i32) -> (i32, i32) {
    %c0_i32 = arith.constant 0 : i32
    %c0_i32_0 = arith.constant 0 : i32
    %c0_i32_1 = arith.constant 0 : i32
    return %c0_i32, %c0_i32_0 : i32, i32
  }
}

</mosaic_0001>

<sc_bundles>
// kernel: kernel.6.cloned.1.call-start
scs
__scs_entry_jumppad:
0x0: {  	(pc) =	sbr.rel $0x88, $3  }
0x1: {  	(tag) =	ssettag $0x0;
	lr =	simm.s32 $0x1  }
0x2: {  	[smem:$0x3F9C] =	sst lr;
	_ =	strace $0xD0000000  }
0x3: {  	_ = 	snop  }
0x4: {  	_ = 	snop  }
0x5: {  	_ = 	snop  }
0x6: {  	_ = 	snop  }
0x7: {  	_ = 	snop  }
__scs_overlays_trampoline_lowered:
0x8: {  	[smem:$0x3FAB] =	sst s0  }
0x9: {  	[smem:$0x3FAC] =	sst s1  }
0xa: {  	[smem:$0x3FAD] =	sst s2  }
0xb: {  	[smem:$0x3FAE] =	sst s3  }
0xc: {  	[smem:$0x3FAF] =	sst s4  }
0xd: {  	[smem:$0x3FB0] =	sst s5  }
0xe: {  	[smem:$0x3FB1] =	sst s6  }
0xf: {  	[smem:$0x3FB2] =	sst s7  }
0x10: {  	[smem:$0x3FB3] =	sst s8  }
0x11: {  	[smem:$0x3FB4] =	sst s9;
	s0 =	simm.s32 @!p0 $0x0  }
0x12: {  	s1 =	sld [smem:$0x3F9A];
	s0 =	simm.s32 @p0 $0x1  }
0x13: {  	[smem:$0x3FB5] =	sst s0;
	s0 =	simm.s32 @!p1 $0x0  }
0x14: {  	s2 =	sld [smem:$0x3F99];
	s0 =	simm.s32 @p1 $0x1  }
0x15: {  	[smem:$0x3FB6] =	sst s0;
	s0 =	simm.s32 @!p2 $0x0  }
0x16: {  	s3 =	sld [smem:$0x3FDB];
	s0 =	simm.s32 @p2 $0x1  }
0x17: {  	s4 =	simm.s32 $0x1BF5;
	[smem:$0x3FB8] =	sst s0  }
0x18: {  	s0 =	sld [smem:$0x3F9B];
	_ =	swait.ge [sflag:s4], $0x0  }
0x19: {  	s7 =	sld [smem:$0x3F9C]  }
0x1a: {  	s8 =	sadd.s32 $0xFFFFE003, lr  }
0x1b: {  	s9 =	sadd.s32 $0xFFFFFEF7, lr;
	s5 =	simm.s32 $0xFFFFFFFF;
	p2 =	slt.u32 s8, $0xFFFFF086  }
0x1c: {  	p1 =	slt.u32 s9, $0xF7A;
	s5 =	simm.s32 @!p2 $0x0  }
0x1d: {  	s5 =	simm.s32 @p1 $0x1;
	p0 =	seq.s32 s7, s2  }
0x1e: {  	s7 =	smul.u32 @!p0 $0xF7A, s2;
	p2 =	seq.s32 @!p0 s5, $0x0  }
0x1f: {  	s9 =	smul.u32 $0xF7A, s1;
	s8 =	simm.s32 @!p0 $0x1BF5;
	p2 =	por !p2, p0  }
0x20: {  	[sflag:s8] =	ssyncset.s32 @!p0 $0xFFFFF086;
	s6 =	sadd.s32 @!p0 s3, s7;
	s7 =	simm.s32 @!p0 $0x108  }
0x21: {  	s3 =	sadd.s32 s3, s9;
	s6 =	sadd.s32 @!p0 $0x88, s6;
	s7 =	simm.s32 @p2 $0x1082  }
0x22: {  	[simem:s7], [sflag:s8] =	dma.local @!p0 [hbm:s6], $0xF7A  }
0x23: {  	s9 =	sor.u32 $0xD0000000, s2;
	s6 =	simm.s32 $0x108;
	_ =	swait.ge @!p0 [sflag:s8], $0x0  }
0x24: {  	s3 =	sadd.s32 $0x88, s3;
	s6 =	simm.s32 @!p1 $0x1082;
	[sflag:s4] =	ssyncset.s32 $0xFFFFF086  }
0x25: {  	[simem:s6], [sflag:s4] =	dma.local [hbm:s3], $0xF7A  }
0x26: {  	[smem:$0x3F9C] =	sst s1;
	(tag) =	ssettag s2;
	_ =	strace s9  }
0x27: {  	s1 =	sld [smem:$0x3FAC]  }
0x28: {  	s2 =	sld [smem:$0x3FAD]  }
0x29: {  	s4 =	sld [smem:$0x3FAF]  }
0x2a: {  	p0 =	seq.s32 s5, $0x0;
	s5 =	sld [smem:$0x3FB0]  }
0x2b: {  	s6 =	sld [smem:$0x3FB1]  }
0x2c: {  	s7 =	sld [smem:$0x3FB2]  }
0x2d: {  	s3 =	simm.s32 $0x108;
	s8 =	sld [smem:$0x3FB3]  }
0x2e: {  	s3 =	simm.s32 @!p0 $0x1082;
	s9 =	sld [smem:$0x3FB4]  }
0x2f: {  	lr =	sadd.s32 s0, s3;
	s0 =	sld [smem:$0x3FAB]  }
0x30: {  	s3 =	sld [smem:$0x3FAE]  }
0x31: {  	[smem:$0x3FB7] =	sst s10  }
0x32: {  	s10 =	sld [smem:$0x3FB5];
	_ =	sdelay $0x3  }
0x33: {  	p0 =	seq.s32 s10, $0x1;
	s10 =	sld [smem:$0x3FB7];
	_ =	sdelay $0x3  }
0x34: {  	[smem:$0x3FB7] =	sst s10  }
0x35: {  	s10 =	sld [smem:$0x3FB6];
	_ =	sdelay $0x3  }
0x36: {  	p1 =	seq.s32 s10, $0x1;
	s10 =	sld [smem:$0x3FB7];
	_ =	sdelay $0x3  }
0x37: {  	[smem:$0x3FB7] =	sst s10  }
0x38: {  	s10 =	sld [smem:$0x3FB8]  }
0x39: {  	_ = 	snop;
	(pc) =	sbr.ind lr, $3  }
0x3a: {  	_ = 	snop  }
0x3b: {  	_ = 	snop  }
0x3c: {  	p2 =	seq.s32 s10, $0x1;
	s10 =	sld [smem:$0x3FB7]  }
0x3d: {  	_ =	shalt  }
0x3e: {  	_ =	shalt  }
0x3f: {  	_ =	shalt  }
0x40: {  	_ =	shalt  }
0x41: {  	_ =	shalt  }
0x42: {  	_ =	shalt  }
0x43: {  	_ =	shalt  }
0x44: {  	_ =	shalt  }
0x45: {  	_ =	shalt  }
0x46: {  	_ =	shalt  }
0x47: {  	_ =	shalt  }
0x48: {  	_ =	shalt  }
0x49: {  	_ =	shalt  }
0x4a: {  	_ =	shalt  }
0x4b: {  	_ =	shalt  }
0x4c: {  	_ =	shalt  }
0x4d: {  	_ =	shalt  }
0x4e: {  	_ =	shalt  }
0x4f: {  	_ =	shalt  }
0x50: {  	_ =	shalt  }
0x51: {  	_ =	shalt  }
0x52: {  	_ =	shalt  }
0x53: {  	_ =	shalt  }
0x54: {  	_ =	shalt  }
0x55: {  	_ =	shalt  }
0x56: {  	_ =	shalt  }
0x57: {  	_ =	shalt  }
0x58: {  	_ =	shalt  }
0x59: {  	_ =	shalt  }
0x5a: {  	_ =	shalt  }
0x5b: {  	_ =	shalt  }
0x5c: {  	_ =	shalt  }
0x5d: {  	_ =	shalt  }
0x5e: {  	_ =	shalt  }
0x5f: {  	_ =	shalt  }
0x60: {  	_ =	shalt  }
0x61: {  	_ =	shalt  }
0x62: {  	_ =	shalt  }
0x63: {  	_ =	shalt  }
0x64: {  	_ =	shalt  }
0x65: {  	_ =	shalt  }
0x66: {  	_ =	shalt  }
0x67: {  	_ =	shalt  }
0x68: {  	_ =	shalt  }
0x69: {  	_ =	shalt  }
0x6a: {  	_ =	shalt  }
0x6b: {  	_ =	shalt  }
0x6c: {  	_ =	shalt  }
0x6d: {  	_ =	shalt  }
0x6e: {  	_ =	shalt  }
0x6f: {  	_ =	shalt  }
0x70: {  	_ =	shalt  }
0x71: {  	_ =	shalt  }
0x72: {  	_ =	shalt  }
0x73: {  	_ =	shalt  }
0x74: {  	_ =	shalt  }
0x75: {  	_ =	shalt  }
0x76: {  	_ =	shalt  }
0x77: {  	_ =	shalt  }
0x78: {  	_ =	shalt  }
0x79: {  	_ =	shalt  }
0x7a: {  	_ =	shalt  }
0x7b: {  	_ =	shalt  }
0x7c: {  	_ =	shalt  }
0x7d: {  	_ =	shalt  }
0x7e: {  	_ =	shalt  }
0x7f: {  	_ =	shalt  }
0x80: {  	_ =	shalt  }
0x81: {  	_ =	shalt  }
0x82: {  	_ =	shalt  }
0x83: {  	_ =	shalt  }
0x84: {  	_ =	shalt  }
0x85: {  	_ =	shalt  }
0x86: {  	_ =	shalt  }
0x87: {  	_ =	shalt  }
.Lfunc_end0:
.L_simem_size_0:
called_computation_lowered:
.L_overlay_start_0:
0x88: {  	s2 =	sld [smem:$0x3FD9]  }
0x89: {  	s3 =	sld [smem:$0x3FFE];
	_ =	sdelay $0x1  }
0x8a: {  	s1 =	srdreg.scid  }
0x8b: {  	s0 =	sand.u32 $0x1, s1  }
0x8c: {  	s14 =	sshll.u32 s0, $0xA;
	s2 =	sadd.s32 s3, s2  }
0x8d: {  	s2 =	sadd.s32 s2, s14  }
0x8e: {  	[smem:$0x3FC3] =	sst s2  }
0x8f: {  	_ = 	snop  }
0x90: {  	s2 =	sld [smem:$0x3FD0];
	_ =	sdelay $0x2  }
0x91: {  	s4 =	simm.s32 $0xA;
	s5 =	simm.s32 $0x10;
	s15 =	sld [smem:$0x3FC9]  }
0x92: {  	[smem:s5], [sflag:s4] =	dma.local [hbm:s2], $0x1  }
0x93: {  	_ =	swait.eq [sflag:s4], $0x1  }
0x94: {  	[sflag:s4] =	ssyncset.done $0x0  }
0x95: {  	[sflag:s4] =	ssyncadd.s32 $0xFFFFFFFF  }
0x96: {  	s16 =	sld [smem:$0x10];
	(tm) =	ssettm $0x1  }
0x97: {  	s17 =	sld [smem:$0x3FFB];
	_ =	sdelay $0x3  }
0x98: {  	_ =	strace s17  }
0x99: {  	s4 =	sld [smem:$0x3FFC];
	_ =	sdelay $0x3  }
0x9a: {  	_ =	strace s4  }
0x9b: {  	s4 =	sld [smem:$0x3FFD];
	_ =	sdelay $0x3  }
0x9c: {  	_ =	strace s4  }
0x9d: {  	_ =	strace $0x8FFFFFFF  }
0x9e: {  	s18 =	sld [smem:$0x3FDB];
	_ =	sdelay $0x1  }
0x9f: {  	s19 =	simm.s32 $_scs_section_size  }
0xa0: {  	s6 =	simm.s32 $_size__tile_overlayer_lowered;
	s7 =	simm.s32 $_tile_overlayer_lowered  }
0xa1: {  	s22 =	simm.s32 $0x1BFF;
	s21 =	sshll.u32 s7, $0x1;
	s4 =	sadd.s32 s19, s18  }
0xa2: {  	s8 =	simm.s32 $0x0;
	s20 =	sshll.u32 s6, $0x1;
	s6 =	sadd.s32 s21, s4  }
0xa3: {  	[timem:s8], [sflag:s22] =	dma.local [hbm:s6], s20  }
0xa4: {  	_ =	swait.ge [sflag:s22], s20  }
0xa5: {  	s5 =	ssub.s32 $0x0, s20;
	[sflag:s22] =	ssyncset.done $0x0  }
0xa6: {  	[sflag:s22] =	ssyncadd.s32 s5;
	_ =	sdelay $0x1  }
0xa7: {  	s23 =	simm.s32 $0x1B8B  }
0xa8: {  	_ =	swait.ge [sflag:s23], $0x1  }
0xa9: {  	[sflag:s23] =	ssyncset.done $0x0  }
0xaa: {  	s25 =	simm.s32 $0x1B8E;
	s24 =	sld [smem:$0x3FFE];
	[sflag:s23] =	ssyncadd.s32 $0xFFFFFFFF  }
0xab: {  	s26 =	simm.s32 $execute0_lowered;
	[smem:$0x3FD2] =	sst s25  }
0xac: {  	s6 =	sshll.u32 s26, $0x1;
	_ =	strace $0x80000046;
	[dreg:$0x1] =	wrdreg $0xFFFFFFFF  }
0xad: {  	s28 =	simm.s32 $_size_execute0_lowered;
	s4 =	sadd.s32 s4, s6;
	[dreg:$0x0] =	wrdreg $0x0  }
0xae: {  	s6 =	sshll.u32 s28, $0x1;
	[dreg:$0x2] =	wrdreg s4  }
0xaf: {  	[dreg:$0x3] =	wrdreg s6  }
0xb0: {  	[dreg:$0x4] =	wrdreg $0xC0  }
0xb1: {  	_ =	task [dreg:s8], $0x5FFFF  }
0xb2: {  	[dreg:$0x1] =	wrdreg $0xFFFFFFFF  }
0xb3: {  	[dreg:$0x0] =	wrdreg $0x60  }
0xb4: {  	[dreg:$0x2] =	wrdreg s15  }
0xb5: {  	[dreg:$0x3] =	wrdreg s24  }
0xb6: {  	[dreg:$0x4] =	wrdreg s16  }
0xb7: {  	[dreg:$0x5] =	wrdreg $0x9  }
0xb8: {  	_ =	task.clear_ibuf [dreg:s8], $0x6FFFF;
	_ =	strace $0x90000046  }
0xb9: {  	s29 =	simm.s32 $0x9;
	_ =	strace $0x80000048  }
0xba: {  	_ =	swait.ge [sflag:s29], $0x1  }
0xbb: {  	[sflag:s29] =	ssyncadd.s32 $0xFFFFFFFF  }
0xbc: {  	_ =	strace $0x90000048  }
0xbd: {  	_ =	sfence  }
0xbe: {  	s30 =	sld [smem:$0x0];
	_ =	sdelay $0x2  }
0xbf: {  	s31 =	sshll.u32 s1, $0xD;
	s1 =	sshrl.u32 s1, $0x2  }
0xc0: {  	s3 =	sand.u32 $0x4000, s31;
	s1 =	sadd.s32 s1, s30  }
0xc1: {  	s0 =	sor.u32 s3, s0;
	s1 =	sshll.u32 s1, $0x11  }
0xc2: {  	s0 =	sor.u32 s1, s0  }
0xc3: {  	s0 =	sadd.s32 $0x8F2B, s0  }
0xc4: {  	[sflag:s0] =	ssyncadd.remote.s32 $0x1  }
0xc5: {  	_ =	sfence.sel $0xFFFF  }
0xc6: {  	[dreg:$0x0] =	wrdreg $0xFFFFFFFF;
	(pc) =	sbr.abs _section_cstart, $3  }
0xc7: {  	[dreg:$0x1] =	wrdreg $0xFFFFFFFF  }
0xc8: {  	_ =	task.clear_ibuf [dreg:s8], $0x2FFFF;
	_ =	strace $0x9FFFFFFF  }
0xc9: {  	(tm) =	ssettm $0x7FFFFFFF  }
tec
execute0_lowered:
.L_overlay_start_1:
0x0: {  	(tag) =	ssettag $0x1  }
0x1: {  	s1 =	rddreg [dreg:$0x0]  }
0x2: {  	s2 =	srdreg.scid;
	s5 =	rddreg [dreg:$0x1]  }
0x3: {  	s0 =	stileid.u32;
	s6 =	rddreg [dreg:$0x2];
	s25 =	simm.s32 $0xC000  }
0x4: {  	s26 =	simm.s32 $0xC080;
	s9 =	simm.s32 $0x1000;
	s10 =	simm.s32 $0x1800  }
0x5: {  	s11 =	simm.s32 $0x2000;
	s12 =	simm.s32 $0x2800;
	s13 =	simm.s32 $0x3000  }
0x6: {  	s14 =	simm.s32 $0x3800;
	s15 =	simm.s32 $0x4000;
	s16 =	simm.s32 $0x4800  }
0x7: {  	s17 =	simm.s32 $0x5000;
	s18 =	simm.s32 $0x5800;
	s19 =	simm.s32 $0x6000  }
0x8: {  	s20 =	simm.s32 $0x6800;
	s21 =	simm.s32 $0x7000;
	s28 =	simm.s32 $0xA000  }
0x9: {  	s29 =	simm.s32 $0xA800;
	s30 =	simm.s32 $0xB000;
	s31 =	simm.s32 $0xB800  }
0xa: {  	s4 =	sand.u32 $0x1, s2;
	s3 =	sshll.u32 s0, $0x4;
	s2 =	simm.s32 $0x0  }
0xb: {  	s7 =	sshll.u32 s4, $0x3;
	[smem:$0x7FF] =	sst s2;
	s4 =	ssub.s32 $0x2, s4  }
0xc: {  	s7 =	sor.u32 s7, s3;
	_ =	strace $0x80000047;
	[dreg:$0x7] =	wrdreg s25  }
0xd: {  	s3 =	sadd.s32 $0x200, s5;
	s22 =	sshrl.u32 s4, $0x1;
	[dreg:$0x8] =	wrdreg s26  }
0xe: {  	s25 =	simm.s32 $0x9000;
	s26 =	simm.s32 $0x9800;
	s23 =	sadd.s32 s5, s7  }
0xf: {  	s8 =	smul.u32 $0x300, s7;
	s24 =	sadd.s32 s6, s7;
	[dreg:$0x5] =	wrdreg s23  }
0x10: {  	s7 =	simm.s32 $0x2;
	[dreg:$0x6] =	wrdreg s24;
	s23 =	simm.s32 $0x8000  }
0x11: {  	v2 =	vlaneseq.u32;
	s24 =	simm.s32 $0x8800;
	s1 =	sadd.s32 s1, s8;
	s8 =	ssub.s32 s4, s22  }
0x12: {  	vm0 =	vmmov $0xffff;
	v1 =	vshrl.u32 v2, $0x3;
	s4 =	sadd.s32 $0x300, s5;
	s5 =	sadd.s32 $0x400, s5;
	s22 =	simm.s32 $0x7800  }
0x13: {  	v0 =	vand.u32 $0x7, v2;
	v2 =	vor.u32 $0x8, v2;
	v1 =	vmul.u32 $0x8, v1;
	[dreg:$0x4] =	wrdreg s1;
	s6 =	smax.u32 s8, $0x1;
	s1 =	simm.s32 $0x1  }
.LBB2_1:
0x14: {  	s0 =	rddreg [dreg:$0x4]  }
0x15: {  	[tilespmem:s2], [sflag:$0x2] =	stream.linear.gather [hbm4b:s0+s2], $0xC000, $0x38;
	[tilespmem:$0xC100] =	vst v63  }
0x16: {  	_ =	swait.ge [sflag:s7], $0xC000  }
0x17: {  	s0 =	rddreg [dreg:$0x5];
	[sflag:s7] =	ssyncset.done $0x0  }
0x18: {  	s8 =	rddreg [dreg:$0x7];
	[sflag:s7] =	ssyncadd.s32 $0xFFFF4000  }
0x19: {  	[tilespmem:s8], [sflag:$0x2] =	stream.linear.gather [hbm4b:s0+s2], $0x40, $0x38;
	[tilespmem:$0xC100] =	vst v63  }
0x1a: {  	_ =	swait.ge [sflag:s7], $0x40  }
0x1b: {  	s0 =	rddreg [dreg:$0x6];
	[sflag:s7] =	ssyncset.done $0x0  }
0x1c: {  	s8 =	rddreg [dreg:$0x8];
	[sflag:s7] =	ssyncadd.s32 $0xFFFFFFC0  }
0x1d: {  	[tilespmem:s8], [sflag:$0x2] =	stream.linear.gather [hbm4b:s0+s2], $0x40, $0x38;
	[tilespmem:$0xC100] =	vst v63  }
0x1e: {  	_ =	swait.ge [sflag:s7], $0x40  }
0x1f: {  	[sflag:s7] =	ssyncset.done $0x0  }
0x20: {  	[sflag:s7] =	ssyncadd.s32 $0xFFFFFFC0  }
0x21: {  	v3 =	vld [tilespmem:$0xC000];
	_ =	sdelay $0x4  }
0x22: {  	v4 =	vshrl.u32 v3, $0x3  }
0x23: {  	v4 =	vmul.u32 $0x30, v4  }
0x24: {  	v3 =	vand.u32 $0x7, v3  }
0x25: {  	v3 =	vor.u32 v3, v4  }
0x26: {  	v4 =	vperm.xlane v3, v0;
	_ =	sdelay $0x1  }
0x27: {  	v4 =	vadd.s32 v1, v4;
	_ =	sdelay $0x3  }
0x28: {  	v3 =	vperm.xlane v3, v2  }
0x29: {  	[hbm4b:s3+s2] =	stream.indirect_vreg.scatter [tilespmem:s2], [sflag:$0x1], $0x80, v4, vm0, $0xb8;
	[tilespmem:$0xC100] =	vst v63  }
0x2a: {  	s8 =	simm.s32 $0x800;
	v3 =	vadd.s32 v1, v3  }
0x2b: {  	[hbm4b:s4+s2] =	stream.indirect_vreg.scatter [tilespmem:s8], [sflag:$0x1], $0x80, v4, vm0, $0xb8;
	[tilespmem:$0xC100] =	vst v63  }
0x2c: {  	_ = 	snop  }
0x2d: {  	[hbm4b:s5+s2] =	stream.indirect_vreg.scatter [tilespmem:s9], [sflag:$0x1], $0x80, v4, vm0, $0xb8;
	[tilespmem:$0xC100] =	vst v63  }
0x2e: {  	_ = 	snop  }
0x2f: {  	[hbm4b:s3+s2] =	stream.indirect_vreg.scatter [tilespmem:s10], [sflag:$0x1], $0x80, v3, vm0, $0xb8;
	[tilespmem:$0xC100] =	vst v63  }
0x30: {  	_ = 	snop  }
0x31: {  	[hbm4b:s4+s2] =	stream.indirect_vreg.scatter [tilespmem:s11], [sflag:$0x1], $0x80, v3, vm0, $0xb8;
	[tilespmem:$0xC100] =	vst v63  }
0x32: {  	_ = 	snop  }
0x33: {  	[hbm4b:s5+s2] =	stream.indirect_vreg.scatter [tilespmem:s12], [sflag:$0x1], $0x80, v3, vm0, $0xb8;
	[tilespmem:$0xC100] =	vst v63  }
0x34: {  	v3 =	vld [tilespmem:$0xC010];
	_ =	sdelay $0x4  }
0x35: {  	v57 =	vshrl.u32 v3, $0x3  }
0x36: {  	v4 =	vmul.u32 $0x30, v57  }
0x37: {  	v3 =	vand.u32 $0x7, v3  }
0x38: {  	v3 =	vor.u32 v3, v4  }
0x39: {  	v4 =	vperm.xlane v3, v0;
	_ =	sdelay $0x1  }
0x3a: {  	v4 =	vadd.s32 v1, v4;
	_ =	sdelay $0x3  }
0x3b: {  	v3 =	vperm.xlane v3, v2  }
0x3c: {  	[hbm4b:s3+s2] =	stream.indirect_vreg.scatter [tilespmem:s13], [sflag:$0x1], $0x80, v4, vm0, $0xb8;
	[tilespmem:$0xC100] =	vst v63  }
0x3d: {  	v3 =	vadd.s32 v1, v3  }
0x3e: {  	[hbm4b:s4+s2] =	stream.indirect_vreg.scatter [tilespmem:s14], [sflag:$0x1], $0x80, v4, vm0, $0xb8;
	[tilespmem:$0xC100] =	vst v63  }
0x3f: {  	_ = 	snop  }
0x40: {  	[hbm4b:s5+s2] =	stream.indirect_vreg.scatter [tilespmem:s15], [sflag:$0x1], $0x80, v4, vm0, $0xb8;
	[tilespmem:$0xC100] =	vst v63  }
0x41: {  	_ = 	snop  }
0x42: {  	[hbm4b:s3+s2] =	stream.indirect_vreg.scatter [tilespmem:s16], [sflag:$0x1], $0x80, v3, vm0, $0xb8;
	[tilespmem:$0xC100] =	vst v63  }
0x43: {  	_ = 	snop  }
0x44: {  	[hbm4b:s4+s2] =	stream.indirect_vreg.scatter [tilespmem:s17], [sflag:$0x1], $0x80, v3, vm0, $0xb8;
	[tilespmem:$0xC100] =	vst v63  }
0x45: {  	_ = 	snop  }
0x46: {  	[hbm4b:s5+s2] =	stream.indirect_vreg.scatter [tilespmem:s18], [sflag:$0x1], $0x80, v3, vm0, $0xb8;
	[tilespmem:$0xC100] =	vst v63  }
0x47: {  	v3 =	vld [tilespmem:$0xC020];
	_ =	sdelay $0x4  }
0x48: {  	v58 =	vshrl.u32 v3, $0x3  }
0x49: {  	v4 =	vmul.u32 $0x30, v58  }
0x4a: {  	v3 =	vand.u32 $0x7, v3  }
0x4b: {  	v3 =	vor.u32 v3, v4  }
0x4c: {  	v4 =	vperm.xlane v3, v0;
	_ =	sdelay $0x1  }
0x4d: {  	v4 =	vadd.s32 v1, v4;
	_ =	sdelay $0x3  }
0x4e: {  	v3 =	vperm.xlane v3, v2  }
0x4f: {  	[hbm4b:s3+s2] =	stream.indirect_vreg.scatter [tilespmem:s19], [sflag:$0x1], $0x80, v4, vm0, $0xb8;
	[tilespmem:$0xC100] =	vst v63  }
0x50: {  	v3 =	vadd.s32 v1, v3  }
0x51: {  	[hbm4b:s4+s2] =	stream.indirect_vreg.scatter [tilespmem:s20], [sflag:$0x1], $0x80, v4, vm0, $0xb8;
	[tilespmem:$0xC100] =	vst v63  }
0x52: {  	_ = 	snop  }
0x53: {  	[hbm4b:s5+s2] =	stream.indirect_vreg.scatter [tilespmem:s21], [sflag:$0x1], $0x80, v4, vm0, $0xb8;
	[tilespmem:$0xC100] =	vst v63  }
0x54: {  	_ = 	snop  }
0x55: {  	[hbm4b:s3+s2] =	stream.indirect_vreg.scatter [tilespmem:s22], [sflag:$0x1], $0x80, v3, vm0, $0xb8;
	[tilespmem:$0xC100] =	vst v63  }
0x56: {  	_ = 	snop  }
0x57: {  	[hbm4b:s4+s2] =	stream.indirect_vreg.scatter [tilespmem:s23], [sflag:$0x1], $0x80, v3, vm0, $0xb8;
	[tilespmem:$0xC100] =	vst v63  }
0x58: {  	_ = 	snop  }
0x59: {  	[hbm4b:s5+s2] =	stream.indirect_vreg.scatter [tilespmem:s24], [sflag:$0x1], $0x80, v3, vm0, $0xb8;
	[tilespmem:$0xC100] =	vst v63  }
0x5a: {  	v3 =	vld [tilespmem:$0xC030];
	_ =	sdelay $0x4  }
0x5b: {  	v59 =	vshrl.u32 v3, $0x3  }
0x5c: {  	v4 =	vmul.u32 $0x30, v59  }
0x5d: {  	v3 =	vand.u32 $0x7, v3  }
0x5e: {  	v3 =	vor.u32 v3, v4  }
0x5f: {  	v4 =	vperm.xlane v3, v0;
	_ =	sdelay $0x1  }
0x60: {  	v4 =	vadd.s32 v1, v4;
	_ =	sdelay $0x3  }
0x61: {  	v3 =	vperm.xlane v3, v2  }
0x62: {  	[hbm4b:s3+s2] =	stream.indirect_vreg.scatter [tilespmem:s25], [sflag:$0x1], $0x80, v4, vm0, $0xb8;
	[tilespmem:$0xC100] =	vst v63  }
0x63: {  	v3 =	vadd.s32 v1, v3  }
0x64: {  	[hbm4b:s4+s2] =	stream.indirect_vreg.scatter [tilespmem:s26], [sflag:$0x1], $0x80, v4, vm0, $0xb8;
	[tilespmem:$0xC100] =	vst v63  }
0x65: {  	_ = 	snop  }
0x66: {  	[hbm4b:s5+s2] =	stream.indirect_vreg.scatter [tilespmem:s28], [sflag:$0x1], $0x80, v4, vm0, $0xb8;
	[tilespmem:$0xC100] =	vst v63  }
0x67: {  	_ = 	snop  }
0x68: {  	[hbm4b:s3+s2] =	stream.indirect_vreg.scatter [tilespmem:s29], [sflag:$0x1], $0x80, v3, vm0, $0xb8;
	[tilespmem:$0xC100] =	vst v63  }
0x69: {  	_ = 	snop  }
0x6a: {  	[hbm4b:s4+s2] =	stream.indirect_vreg.scatter [tilespmem:s30], [sflag:$0x1], $0x80, v3, vm0, $0xb8;
	[tilespmem:$0xC100] =	vst v63  }
0x6b: {  	_ = 	snop  }
0x6c: {  	[hbm4b:s5+s2] =	stream.indirect_vreg.scatter [tilespmem:s31], [sflag:$0x1], $0x80, v3, vm0, $0xb8;
	[tilespmem:$0xC100] =	vst v63  }
0x6d: {  	_ =	swait.ge [sflag:s1], $0xC000  }
0x6e: {  	[sflag:s1] =	ssyncset.done $0x0  }
0x6f: {  	[sflag:s1] =	ssyncadd.s32 $0xFFFF4000  }
0x70: {  	v3 =	vld [tilespmem:$0xC080];
	_ =	sdelay $0x4  }
0x71: {  	v60 =	vshrl.u32 v3, $0x3  }
0x72: {  	v4 =	vmul.u32 $0x30, v60  }
0x73: {  	v3 =	vand.u32 $0x7, v3  }
0x74: {  	v3 =	vor.u32 v3, v4  }
0x75: {  	v4 =	vperm.xlane v3, v0;
	_ =	sdelay $0x1  }
0x76: {  	v4 =	vadd.s32 v1, v4;
	_ =	sdelay $0x3  }
0x77: {  	v3 =	vperm.xlane v3, v2  }
0x78: {  	[hbm4b:s3+s2] =	stream.indirect_vreg.scatter [tilespmem:s2], [sflag:$0x1], $0x80, v4, vm0, $0xb8;
	[tilespmem:$0xC100] =	vst v63  }
0x79: {  	v3 =	vadd.s32 v1, v3  }
0x7a: {  	[hbm4b:s4+s2] =	stream.indirect_vreg.scatter [tilespmem:s8], [sflag:$0x1], $0x80, v4, vm0, $0xb8;
	[tilespmem:$0xC100] =	vst v63  }
0x7b: {  	_ = 	snop  }
0x7c: {  	[hbm4b:s5+s2] =	stream.indirect_vreg.scatter [tilespmem:s9], [sflag:$0x1], $0x80, v4, vm0, $0xb8;
	[tilespmem:$0xC100] =	vst v63  }
0x7d: {  	_ = 	snop  }
0x7e: {  	[hbm4b:s3+s2] =	stream.indirect_vreg.scatter [tilespmem:s10], [sflag:$0x1], $0x80, v3, vm0, $0xb8;
	[tilespmem:$0xC100] =	vst v63  }
0x7f: {  	_ = 	snop  }
0x80: {  	[hbm4b:s4+s2] =	stream.indirect_vreg.scatter [tilespmem:s11], [sflag:$0x1], $0x80, v3, vm0, $0xb8;
	[tilespmem:$0xC100] =	vst v63  }
0x81: {  	_ = 	snop  }
0x82: {  	[hbm4b:s5+s2] =	stream.indirect_vreg.scatter [tilespmem:s12], [sflag:$0x1], $0x80, v3, vm0, $0xb8;
	[tilespmem:$0xC100] =	vst v63  }
0x83: {  	v3 =	vld [tilespmem:$0xC090];
	_ =	sdelay $0x4  }
0x84: {  	v61 =	vshrl.u32 v3, $0x3  }
0x85: {  	v4 =	vmul.u32 $0x30, v61  }
0x86: {  	v3 =	vand.u32 $0x7, v3  }
0x87: {  	v3 =	vor.u32 v3, v4  }
0x88: {  	v4 =	vperm.xlane v3, v0;
	_ =	sdelay $0x1  }
0x89: {  	v4 =	vadd.s32 v1, v4;
	_ =	sdelay $0x3  }
0x8a: {  	v3 =	vperm.xlane v3, v2  }
0x8b: {  	[hbm4b:s3+s2] =	stream.indirect_vreg.scatter [tilespmem:s13], [sflag:$0x1], $0x80, v4, vm0, $0xb8;
	[tilespmem:$0xC100] =	vst v63  }
0x8c: {  	v3 =	vadd.s32 v1, v3  }
0x8d: {  	[hbm4b:s4+s2] =	stream.indirect_vreg.scatter [tilespmem:s14], [sflag:$0x1], $0x80, v4, vm0, $0xb8;
	[tilespmem:$0xC100] =	vst v63  }
0x8e: {  	_ = 	snop  }
0x8f: {  	[hbm4b:s5+s2] =	stream.indirect_vreg.scatter [tilespmem:s15], [sflag:$0x1], $0x80, v4, vm0, $0xb8;
	[tilespmem:$0xC100] =	vst v63  }
0x90: {  	_ = 	snop  }
0x91: {  	[hbm4b:s3+s2] =	stream.indirect_vreg.scatter [tilespmem:s16], [sflag:$0x1], $0x80, v3, vm0, $0xb8;
	[tilespmem:$0xC100] =	vst v63  }
0x92: {  	_ = 	snop  }
0x93: {  	[hbm4b:s4+s2] =	stream.indirect_vreg.scatter [tilespmem:s17], [sflag:$0x1], $0x80, v3, vm0, $0xb8;
	[tilespmem:$0xC100] =	vst v63  }
0x94: {  	_ = 	snop  }
0x95: {  	[hbm4b:s5+s2] =	stream.indirect_vreg.scatter [tilespmem:s18], [sflag:$0x1], $0x80, v3, vm0, $0xb8;
	[tilespmem:$0xC100] =	vst v63  }
0x96: {  	v3 =	vld [tilespmem:$0xC0A0];
	_ =	sdelay $0x4  }
0x97: {  	v62 =	vshrl.u32 v3, $0x3  }
0x98: {  	v4 =	vmul.u32 $0x30, v62  }
0x99: {  	v3 =	vand.u32 $0x7, v3  }
0x9a: {  	v3 =	vor.u32 v3, v4  }
0x9b: {  	v4 =	vperm.xlane v3, v0;
	_ =	sdelay $0x1  }
0x9c: {  	v4 =	vadd.s32 v1, v4;
	_ =	sdelay $0x3  }
0x9d: {  	v3 =	vperm.xlane v3, v2  }
0x9e: {  	[hbm4b:s3+s2] =	stream.indirect_vreg.scatter [tilespmem:s19], [sflag:$0x1], $0x80, v4, vm0, $0xb8;
	[tilespmem:$0xC100] =	vst v63  }
0x9f: {  	v3 =	vadd.s32 v1, v3  }
0xa0: {  	[hbm4b:s4+s2] =	stream.indirect_vreg.scatter [tilespmem:s20], [sflag:$0x1], $0x80, v4, vm0, $0xb8;
	[tilespmem:$0xC100] =	vst v63  }
0xa1: {  	_ = 	snop  }
0xa2: {  	[hbm4b:s5+s2] =	stream.indirect_vreg.scatter [tilespmem:s21], [sflag:$0x1], $0x80, v4, vm0, $0xb8;
	[tilespmem:$0xC100] =	vst v63  }
0xa3: {  	_ = 	snop  }
0xa4: {  	[hbm4b:s3+s2] =	stream.indirect_vreg.scatter [tilespmem:s22], [sflag:$0x1], $0x80, v3, vm0, $0xb8;
	[tilespmem:$0xC100] =	vst v63  }
0xa5: {  	_ = 	snop  }
0xa6: {  	[hbm4b:s4+s2] =	stream.indirect_vreg.scatter [tilespmem:s23], [sflag:$0x1], $0x80, v3, vm0, $0xb8;
	[tilespmem:$0xC100] =	vst v63  }
0xa7: {  	_ = 	snop  }
0xa8: {  	[hbm4b:s5+s2] =	stream.indirect_vreg.scatter [tilespmem:s24], [sflag:$0x1], $0x80, v3, vm0, $0xb8;
	[tilespmem:$0xC100] =	vst v63  }
0xa9: {  	v3 =	vld [tilespmem:$0xC0B0];
	_ =	sdelay $0x4  }
0xaa: {  	v63 =	vshrl.u32 v3, $0x3  }
0xab: {  	v4 =	vmul.u32 $0x30, v63  }
0xac: {  	v3 =	vand.u32 $0x7, v3  }
0xad: {  	v3 =	vor.u32 v3, v4  }
0xae: {  	v4 =	vperm.xlane v3, v0;
	_ =	sdelay $0x1  }
0xaf: {  	v4 =	vadd.s32 v1, v4;
	_ =	sdelay $0x3  }
0xb0: {  	v3 =	vperm.xlane v3, v2  }
0xb1: {  	[hbm4b:s3+s2] =	stream.indirect_vreg.scatter [tilespmem:s25], [sflag:$0x1], $0x80, v4, vm0, $0xb8;
	[tilespmem:$0xC100] =	vst v63  }
0xb2: {  	v3 =	vadd.s32 v1, v3  }
0xb3: {  	[hbm4b:s4+s2] =	stream.indirect_vreg.scatter [tilespmem:s26], [sflag:$0x1], $0x80, v4, vm0, $0xb8;
	[tilespmem:$0xC100] =	vst v63  }
0xb4: {  	_ = 	snop  }
0xb5: {  	[hbm4b:s5+s2] =	stream.indirect_vreg.scatter [tilespmem:s28], [sflag:$0x1], $0x80, v4, vm0, $0xb8;
	[tilespmem:$0xC100] =	vst v63  }
0xb6: {  	_ = 	snop  }
0xb7: {  	[hbm4b:s3+s2] =	stream.indirect_vreg.scatter [tilespmem:s29], [sflag:$0x1], $0x80, v3, vm0, $0xb8;
	[tilespmem:$0xC100] =	vst v63  }
0xb8: {  	p0 =	sne.s32 s6, $0x1  }
0xb9: {  	[hbm4b:s4+s2] =	stream.indirect_vreg.scatter [tilespmem:s30], [sflag:$0x1], $0x80, v3, vm0, $0xb8;
	[tilespmem:$0xC100] =	vst v63  }
.Ltmp0:
0xba: {  	_ = 	snop;
	(pc) =	sbr.rel @p0 .LBB2_1-.Ltmp0, $4  }
0xbb: {  	[hbm4b:s5+s2] =	stream.indirect_vreg.scatter [tilespmem:s31], [sflag:$0x1], $0x80, v3, vm0, $0xb8;
	[tilespmem:$0xC100] =	vst v63  }
0xbc: {  	_ =	swait.ge [sflag:s1], $0xC000  }
0xbd: {  	[sflag:s1] =	ssyncset.done $0x0  }
0xbe: {  	s6 =	sadd.s32 $0xFFFFFFFF, s6;
	[sflag:s1] =	ssyncadd.s32 $0xFFFF4000  }
0xbf: {  	_ =	sfence.sel $0x180000  }
0xc0: {  	[bflag:$0x0] =	sbarrier.arrive $0xFFFF  }
0xc1: {  	_ =	strace $0x90000047  }
0xc2: {  	s0 =	stileid.u32;
	[bflag:$0x2] =	sbarrier.arrive $0xFFFF  }
0xc3: {  	p0 =	sne.s32 s0, $0x0;
	s0 =	rddreg [dreg:$0x3]  }
0xc4: {  	s0 =	sadd.s32 @!p0 $0x100000, s0  }
0xc5: {  	[sflag:s0] =	ssyncadd.tile.s32 @!p0 $0x1;
	_ =	shalt  }
.Lfunc_end2:
_tile_overlayer_lowered:
.L_overlay_start_2:
0xc6: {  	(tag) =	ssettag $0x2  }
0xc7: {  	s0 =	rddreg [dreg:$0x0];
	s2 =	stileid.u32  }
0xc8: {  	s1 =	rddreg [dreg:$0x1];
	p0 =	sne.s32 s2, $0x0  }
0xc9: {  	s3 =	rddreg [dreg:$0x2];
	[bflag:$0x3] =	sbarrier.arrive $0xFFFF;
	s2 =	simm.s32 @!p0 $0x1C02  }
0xca: {  	[timem:s3], [sflag:s2] =	dma.local @!p0 [hbm:s0], s1  }
0xcb: {  	s0 =	simm.s32 @!p0 $0x2  }
0xcc: {  	_ =	swait.ge @!p0 [sflag:s0], s1  }
0xcd: {  	s1 =	ssub.s32 @!p0 $0x0, s1;
	[sflag:s0] =	ssyncset.done @!p0 $0x0  }
0xce: {  	[sflag:s0] =	ssyncadd.s32 @!p0 s1  }
0xcf: {  	[bflag:$0x3] =	sbarrier.arrive $0xFFFF  }
0xd0: {  	_ =	shalt  }

</sc_bundles>
